<compile_context>
chip_gen: v7x
topology: tpu7x:2x2x1
jax: 0.10.2.dev20260603
libtpu: 0.0.44.dev20260713+nightly
codegen_flags: <defaults>
</compile_context>

<pallas_src>
import functools
import jax
import jax.numpy as jnp
from jax import lax
from jax.experimental import pallas as pl
from jax.experimental.pallas import tpu as pltpu
from jax.experimental.pallas import tpu_sc as plsc

EMB = 64
NC = 2
NS = 16
CH = 128
ROW = 128
NBUF = 4


@functools.partial(jax.jit, static_argnames=("batch",))
def _sc_gather(idx16, du, di, lu2, li2, batch):
    nw = NC * NS
    b_per_w = batch // nw
    n_chunks = b_per_w // CH
    n_str = 4 * n_chunks
    mesh = plsc.VectorSubcoreMesh(core_axis_name="c", subcore_axis_name="s")

    @functools.partial(
        pl.kernel,
        mesh=mesh,
        compiler_params=pltpu.CompilerParams(use_tc_tiling_on_sc=False),
        out_type=[
            jax.ShapeDtypeStruct((batch, EMB), jnp.float32),
            jax.ShapeDtypeStruct((batch, EMB), jnp.float32),
            jax.ShapeDtypeStruct((batch, ROW), jnp.float32),
            jax.ShapeDtypeStruct((batch, ROW), jnp.float32),
        ],
        scratch_types=[
            pltpu.VMEM((n_str, CH), jnp.int32),
        ] + [pltpu.VMEM((CH, EMB), jnp.float32) for _ in range(NBUF)]
          + [pltpu.VMEM((CH, ROW), jnp.float32) for _ in range(NBUF)] + [
            pltpu.SemaphoreType.DMA,
            pltpu.SemaphoreType.DMA,
        ],
    )
    def gather_kernel(idx_hbm, du_hbm, di_hbm, lu_hbm, li_hbm,
                      gu_hbm, gi_hbm, wu_hbm, wi_hbm,
                      idx_v, *rest):
        dbufs = list(rest[:NBUF])
        wbufs = list(rest[NBUF:2 * NBUF])
        sem, osem = rest[2 * NBUF], rest[2 * NBUF + 1]
        tabs = [du_hbm, di_hbm, lu_hbm, li_hbm]
        outs = [gu_hbm, gi_hbm, wu_hbm, wi_hbm]
        wid = lax.axis_index("s") * NC + lax.axis_index("c")
        base = wid * b_per_w
        pltpu.sync_copy(idx_hbm.at[wid], idx_v)

        def buf(k):
            t = k // n_chunks
            return (dbufs if t < 2 else wbufs)[k % NBUF]

        def gth(k):
            t = k // n_chunks
            return (tabs[t].at[idx_v.at[k]], buf(k), sem)

        def put(k):
            t, j = divmod(k, n_chunks)
            dst = outs[t].at[pl.ds(base + j * CH, CH), :]
            return (buf(k), dst, osem)

        for k in range(n_str):
            if k >= NBUF:
                pltpu.make_async_copy(*put(k - NBUF)).wait()
            pltpu.async_copy(*gth(k))
            if k >= NBUF - 1:
                kk = k - NBUF + 1
                pltpu.make_async_copy(*gth(kk)).wait()
                pltpu.async_copy(*put(kk))
        for k in range(n_str - NBUF + 1, n_str):
            pltpu.make_async_copy(*gth(k)).wait()
            pltpu.async_copy(*put(k))
        for k in range(n_str - NBUF, n_str):
            pltpu.make_async_copy(*put(k)).wait()

    return gather_kernel(idx16, du, di, lu2, li2)


def _mlp_body(gu, gi, wu, wi, wcu, wci, w1u, w1i, b1, w2, b2, out):
    blk = gu.shape[0]
    h = (jnp.dot(gu[...], w1u[...], preferred_element_type=jnp.float32)
         + jnp.dot(gi[...], w1i[...], preferred_element_type=jnp.float32))
    h = jnp.maximum(h + b1[...], 0.0)
    deep = jnp.dot(h, w2[...], preferred_element_type=jnp.float32)
    lanes = lax.broadcasted_iota(jnp.int32, (blk, ROW), 1)
    wide_u = jnp.sum(jnp.where(lanes == wcu[...], wu[...], 0.0),
                     axis=1, keepdims=True)
    wide_i = jnp.sum(jnp.where(lanes == wci[...], wi[...], 0.0),
                     axis=1, keepdims=True)
    out[...] = deep + wide_u + wide_i + b2[...]


@jax.jit
def _tc_mlp(gu, gi, wu, wi, wcu, wci, w1u, w1i, b1, w2, b2):
    batch = gu.shape[0]
    blk = 2048
    grid = (batch // blk,)
    emb_spec = pl.BlockSpec((blk, EMB), lambda i: (i, 0))
    row_spec = pl.BlockSpec((blk, ROW), lambda i: (i, 0))
    col_spec = pl.BlockSpec((blk, 1), lambda i: (i, 0))
    return pl.pallas_call(
        _mlp_body,
        grid=grid,
        in_specs=[
            emb_spec, emb_spec, row_spec, row_spec,
            col_spec, col_spec,
            pl.BlockSpec((EMB, EMB), lambda i: (0, 0)),
            pl.BlockSpec((EMB, EMB), lambda i: (0, 0)),
            pl.BlockSpec((1, EMB), lambda i: (0, 0)),
            pl.BlockSpec((EMB, 1), lambda i: (0, 0)),
            pl.BlockSpec((1, 1), lambda i: (0, 0)),
        ],
        out_specs=pl.BlockSpec((blk, 1), lambda i: (i, 0)),
        out_shape=jax.ShapeDtypeStruct((batch, 1), jnp.float32),
    )(gu, gi, wu, wi, wcu, wci, w1u, w1i, b1, w2, b2)


def kernel(user_idx, item_idx, linear_user, linear_item, deep_user,
           deep_item, W1, b1, W2, b2):
    batch = user_idx.shape[0]
    n = deep_user.shape[0]
    nw = NC * NS
    n_chunks = batch // nw // CH
    nrow_lin = (n + ROW - 1) // ROW
    ui = user_idx.astype(jnp.int32)
    ii = item_idx.astype(jnp.int32)
    idx16 = jnp.concatenate([
        ui.reshape(nw, n_chunks, CH),
        ii.reshape(nw, n_chunks, CH),
        (ui >> 7).reshape(nw, n_chunks, CH),
        (ii >> 7).reshape(nw, n_chunks, CH),
    ], axis=1)
    lu2 = jnp.pad(linear_user.reshape(-1),
                  (0, nrow_lin * ROW - n)).reshape(nrow_lin, ROW)
    li2 = jnp.pad(linear_item.reshape(-1),
                  (0, nrow_lin * ROW - n)).reshape(nrow_lin, ROW)
    gu, gi, wu, wi = _sc_gather(idx16, deep_user, deep_item, lu2, li2, batch)
    out = _tc_mlp(gu, gi, wu, wi,
                  (ui & 127).reshape(batch, 1), (ii & 127).reshape(batch, 1),
                  W1[:, :EMB].T, W1[:, EMB:].T, b1.reshape(1, EMB),
                  W2.reshape(EMB, 1), b2.reshape(1, 1))
    return out

# --- scband reference (transcript-rebuilt; emitter-appended) ---
"""Pipeline reference for scband-wide-and-deep-model-72773925863815 (READ-ONLY COPY).

The authoritative reference and input builder live on the scoring server;
editing this copy changes nothing except your own understanding.
"""

import jax, jax.numpy as jnp
import numpy as np

N_USERS = 1000000
N_ITEMS = 1000000
EMB_DIM = 64
BATCH = 16384

def setup_inputs(seed: int = 0) -> dict:
    key = jax.random.key(seed)
    ks = jax.random.split(key, 10)
    user_idx = jax.random.randint(ks[0], (BATCH,), 0, N_USERS, dtype=jnp.int64) if jax.config.jax_enable_x64 else jax.random.randint(ks[0], (BATCH,), 0, N_USERS)
    item_idx = jax.random.randint(ks[1], (BATCH,), 0, N_ITEMS)
    linear_user = jax.random.normal(ks[2], (N_USERS, 1), dtype=jnp.float32) * 0.01
    linear_item = jax.random.normal(ks[3], (N_ITEMS, 1), dtype=jnp.float32) * 0.01
    deep_user = jax.random.normal(ks[4], (N_USERS, EMB_DIM), dtype=jnp.float32) * 0.05
    deep_item = jax.random.normal(ks[5], (N_ITEMS, EMB_DIM), dtype=jnp.float32) * 0.05
    W1 = jax.random.normal(ks[6], (64, EMB_DIM * 2), dtype=jnp.float32) * (1.0 / np.sqrt(EMB_DIM * 2))
    b1 = jnp.zeros((64,), dtype=jnp.float32)
    W2 = jax.random.normal(ks[7], (1, 64), dtype=jnp.float32) * (1.0 / np.sqrt(64))
    b2 = jnp.zeros((1,), dtype=jnp.float32)
    return {
        "user_idx": user_idx,
        "item_idx": item_idx,
        "linear_user": linear_user,
        "linear_item": linear_item,
        "deep_user": deep_user,
        "deep_item": deep_item,
        "W1": W1,
        "b1": b1,
        "W2": W2,
        "b2": b2,
    }


def reference(user_idx, item_idx, linear_user, linear_item, deep_user, deep_item, W1, b1, W2, b2):
    # wide part: per-id scalar biases (embedding gathers)
    wide_out = jnp.take(linear_user, user_idx, axis=0) + jnp.take(linear_item, item_idx, axis=0)
    # deep part: embedding gathers + small MLP
    deep_user_emb = jnp.take(deep_user, user_idx, axis=0)
    deep_item_emb = jnp.take(deep_item, item_idx, axis=0)
    h = jnp.concatenate([deep_user_emb, deep_item_emb], axis=-1)
    h = jax.nn.relu(h @ W1.T + b1)
    deep_out = h @ W2.T + b2
    return wide_out + deep_out

if __name__ == "__main__":
    import jax
    _d = setup_inputs()
    print(jax.jit(kernel)(*tuple(_d.values())))

</pallas_src>

<mosaic_0001>
#map = affine_map<(d0, d1) -> (0, 0, 0)>
#map1 = affine_map<(d0, d1) -> (0, 0)>
module attributes {stable_mosaic.version = 14 : i64} {
  func.func @gather_kernel(%arg0: i32, %arg1: i32, %arg2: memref<32x16x128xi32, #tpu.memory_space<hbm>>, %arg3: memref<1000000x64xf32, #tpu.memory_space<hbm>>, %arg4: memref<1000000x64xf32, #tpu.memory_space<hbm>>, %arg5: memref<7813x128xf32, #tpu.memory_space<hbm>>, %arg6: memref<7813x128xf32, #tpu.memory_space<hbm>>, %arg7: memref<16384x64xf32, #tpu.memory_space<hbm>>, %arg8: memref<16384x64xf32, #tpu.memory_space<hbm>>, %arg9: memref<16384x128xf32, #tpu.memory_space<hbm>>, %arg10: memref<16384x128xf32, #tpu.memory_space<hbm>>, %arg11: memref<16x128xi32, #tpu.memory_space<vmem>>, %arg12: memref<128x64xf32, #tpu.memory_space<vmem>>, %arg13: memref<128x64xf32, #tpu.memory_space<vmem>>, %arg14: memref<128x64xf32, #tpu.memory_space<vmem>>, %arg15: memref<128x64xf32, #tpu.memory_space<vmem>>, %arg16: memref<128x128xf32, #tpu.memory_space<vmem>>, %arg17: memref<128x128xf32, #tpu.memory_space<vmem>>, %arg18: memref<128x128xf32, #tpu.memory_space<vmem>>, %arg19: memref<128x128xf32, #tpu.memory_space<vmem>>, %arg20: memref<!tpu.dma_semaphore, #tpu.memory_space<semaphore_mem>>, %arg21: memref<!tpu.dma_semaphore, #tpu.memory_space<semaphore_mem>>) attributes {dimension_semantics = [#tpu.dimension_semantics<core_parallel>, #tpu.dimension_semantics<subcore_parallel>], iteration_bounds = array<i64: 2, 16>, scalar_prefetch = 0 : i64, scratch_operands = 11 : i64, tpu.core_type = #tpu.core_type<sc_vector_subcore>, window_params = [{transform_indices = #map}, {transform_indices = #map1}, {transform_indices = #map1}, {transform_indices = #map1}, {transform_indices = #map1}, {transform_indices = #map1}, {transform_indices = #map1}, {transform_indices = #map1}, {transform_indices = #map1}]} {
    %mul3A = arith.constant 2 : i32
    %mul3A_0 = arith.muli %arg1, %mul3A : i32
    %add3A = arith.addi %mul3A_0, %arg0 : i32
    %mul3A_1 = arith.constant 512 : i32
    %mul3A_2 = arith.muli %add3A, %mul3A_1 : i32
    "tpu.region"() ({
      %run_scoped3A = tpu.sem_alloc : memref<!tpu.dma_semaphore, #tpu.memory_space<semaphore_mem>>
      %dma_start3A_417 = arith.constant 0 : i32
      %dma_start3A_418 = arith.constant 0 : i32
      %dma_start3A_419 = tpu.memref_slice %arg2[%add3A, %dma_start3A_417, %dma_start3A_418] : memref<32x16x128xi32, #tpu.memory_space<hbm>> -> memref<1x16x128xi32, #tpu.memory_space<hbm>>
      %dma_start3A_420 = tpu.memref_squeeze %dma_start3A_419 : memref<1x16x128xi32, #tpu.memory_space<hbm>> -> memref<16x128xi32, #tpu.memory_space<hbm>>
      %dma_start3A_421 = arith.constant 0 : i32
      %dma_start3A_422 = arith.constant 0 : i32
      %dma_start3A_423 = tpu.memref_slice %arg2[%add3A, %dma_start3A_421, %dma_start3A_422] : memref<32x16x128xi32, #tpu.memory_space<hbm>> -> memref<1x16x128xi32, #tpu.memory_space<hbm>>
      %dma_start3A_424 = tpu.memref_squeeze %dma_start3A_423 : memref<1x16x128xi32, #tpu.memory_space<hbm>> -> memref<16x128xi32, #tpu.memory_space<hbm>>
      tpu.enqueue_dma source(%dma_start3A_424 : memref<16x128xi32, #tpu.memory_space<hbm>>) target(%arg11 : memref<16x128xi32, #tpu.memory_space<vmem>>) target_semaphore(%run_scoped3A : memref<!tpu.dma_semaphore, #tpu.memory_space<semaphore_mem>>)
      %dma_wait3A_425 = arith.constant 0 : i32
      %dma_wait3A_426 = arith.constant 0 : i32
      %dma_wait3A_427 = tpu.memref_slice %arg2[%add3A, %dma_wait3A_425, %dma_wait3A_426] : memref<32x16x128xi32, #tpu.memory_space<hbm>> -> memref<1x16x128xi32, #tpu.memory_space<hbm>>
      %dma_wait3A_428 = tpu.memref_squeeze %dma_wait3A_427 : memref<1x16x128xi32, #tpu.memory_space<hbm>> -> memref<16x128xi32, #tpu.memory_space<hbm>>
      %dma_wait3A_429 = arith.constant 0 : i32
      %dma_wait3A_430 = arith.constant 0 : i32
      %dma_wait3A_431 = tpu.memref_slice %arg2[%add3A, %dma_wait3A_429, %dma_wait3A_430] : memref<32x16x128xi32, #tpu.memory_space<hbm>> -> memref<1x16x128xi32, #tpu.memory_space<hbm>>
      %dma_wait3A_432 = tpu.memref_squeeze %dma_wait3A_431 : memref<1x16x128xi32, #tpu.memory_space<hbm>> -> memref<16x128xi32, #tpu.memory_space<hbm>>
      tpu.wait_dma2 semaphore(%run_scoped3A : memref<!tpu.dma_semaphore, #tpu.memory_space<semaphore_mem>>) src(%dma_wait3A_432 : memref<16x128xi32, #tpu.memory_space<hbm>>) dst(%arg11 : memref<16x128xi32, #tpu.memory_space<vmem>>)
      tpu.yield
    }) : () -> ()
    %dma_start3A = arith.constant 0 : i32
    %dma_start3A_3 = arith.constant 0 : i32
    %dma_start3A_4 = tpu.memref_slice %arg11[%dma_start3A, %dma_start3A_3] : memref<16x128xi32, #tpu.memory_space<vmem>> -> memref<1x128xi32, #tpu.memory_space<vmem>>
    %dma_start3A_5 = tpu.memref_squeeze %dma_start3A_4 : memref<1x128xi32, #tpu.memory_space<vmem>> -> memref<128xi32, #tpu.memory_space<vmem>>
    %dma_start3A_6 = arith.constant 0 : i32
    %dma_start3A_7 = arith.constant 0 : i32
    %dma_start3A_8 = tpu.memref_slice %arg3[%dma_start3A_6, %dma_start3A_7] : memref<1000000x64xf32, #tpu.memory_space<hbm>> -> memref<1000000x64xf32, #tpu.memory_space<hbm>>
    tpu.enqueue_indirect_dma source(%dma_start3A_8 : memref<1000000x64xf32, #tpu.memory_space<hbm>>) target(%arg12 : memref<128x64xf32, #tpu.memory_space<vmem>>) offsets(%dma_start3A_5 : memref<128xi32, #tpu.memory_space<vmem>>) semaphore(%arg20 : memref<!tpu.dma_semaphore, #tpu.memory_space<semaphore_mem>>)
    %dma_start3A_9 = arith.constant 1 : i32
    %dma_start3A_10 = arith.constant 0 : i32
    %dma_start3A_11 = tpu.memref_slice %arg11[%dma_start3A_9, %dma_start3A_10] : memref<16x128xi32, #tpu.memory_space<vmem>> -> memref<1x128xi32, #tpu.memory_space<vmem>>
    %dma_start3A_12 = tpu.memref_squeeze %dma_start3A_11 : memref<1x128xi32, #tpu.memory_space<vmem>> -> memref<128xi32, #tpu.memory_space<vmem>>
    %dma_start3A_13 = arith.constant 0 : i32
    %dma_start3A_14 = arith.constant 0 : i32
    %dma_start3A_15 = tpu.memref_slice %arg3[%dma_start3A_13, %dma_start3A_14] : memref<1000000x64xf32, #tpu.memory_space<hbm>> -> memref<1000000x64xf32, #tpu.memory_space<hbm>>
    tpu.enqueue_indirect_dma source(%dma_start3A_15 : memref<1000000x64xf32, #tpu.memory_space<hbm>>) target(%arg13 : memref<128x64xf32, #tpu.memory_space<vmem>>) offsets(%dma_start3A_12 : memref<128xi32, #tpu.memory_space<vmem>>) semaphore(%arg20 : memref<!tpu.dma_semaphore, #tpu.memory_space<semaphore_mem>>)
    %dma_start3A_16 = arith.constant 2 : i32
    %dma_start3A_17 = arith.constant 0 : i32
    %dma_start3A_18 = tpu.memref_slice %arg11[%dma_start3A_16, %dma_start3A_17] : memref<16x128xi32, #tpu.memory_space<vmem>> -> memref<1x128xi32, #tpu.memory_space<vmem>>
    %dma_start3A_19 = tpu.memref_squeeze %dma_start3A_18 : memref<1x128xi32, #tpu.memory_space<vmem>> -> memref<128xi32, #tpu.memory_space<vmem>>
    %dma_start3A_20 = arith.constant 0 : i32
    %dma_start3A_21 = arith.constant 0 : i32
    %dma_start3A_22 = tpu.memref_slice %arg3[%dma_start3A_20, %dma_start3A_21] : memref<1000000x64xf32, #tpu.memory_space<hbm>> -> memref<1000000x64xf32, #tpu.memory_space<hbm>>
    tpu.enqueue_indirect_dma source(%dma_start3A_22 : memref<1000000x64xf32, #tpu.memory_space<hbm>>) target(%arg14 : memref<128x64xf32, #tpu.memory_space<vmem>>) offsets(%dma_start3A_19 : memref<128xi32, #tpu.memory_space<vmem>>) semaphore(%arg20 : memref<!tpu.dma_semaphore, #tpu.memory_space<semaphore_mem>>)
    %dma_start3A_23 = arith.constant 3 : i32
    %dma_start3A_24 = arith.constant 0 : i32
    %dma_start3A_25 = tpu.memref_slice %arg11[%dma_start3A_23, %dma_start3A_24] : memref<16x128xi32, #tpu.memory_space<vmem>> -> memref<1x128xi32, #tpu.memory_space<vmem>>
    %dma_start3A_26 = tpu.memref_squeeze %dma_start3A_25 : memref<1x128xi32, #tpu.memory_space<vmem>> -> memref<128xi32, #tpu.memory_space<vmem>>
    %dma_start3A_27 = arith.constant 0 : i32
    %dma_start3A_28 = arith.constant 0 : i32
    %dma_start3A_29 = tpu.memref_slice %arg3[%dma_start3A_27, %dma_start3A_28] : memref<1000000x64xf32, #tpu.memory_space<hbm>> -> memref<1000000x64xf32, #tpu.memory_space<hbm>>
    tpu.enqueue_indirect_dma source(%dma_start3A_29 : memref<1000000x64xf32, #tpu.memory_space<hbm>>) target(%arg15 : memref<128x64xf32, #tpu.memory_space<vmem>>) offsets(%dma_start3A_26 : memref<128xi32, #tpu.memory_space<vmem>>) semaphore(%arg20 : memref<!tpu.dma_semaphore, #tpu.memory_space<semaphore_mem>>)
    %dma_wait3A = arith.constant 0 : i32
    %dma_wait3A_30 = arith.constant 0 : i32
    %dma_wait3A_31 = tpu.memref_slice %arg11[%dma_wait3A, %dma_wait3A_30] : memref<16x128xi32, #tpu.memory_space<vmem>> -> memref<1x128xi32, #tpu.memory_space<vmem>>
    %dma_wait3A_32 = tpu.memref_squeeze %dma_wait3A_31 : memref<1x128xi32, #tpu.memory_space<vmem>> -> memref<128xi32, #tpu.memory_space<vmem>>
    %dma_wait3A_33 = arith.constant 0 : i32
    %dma_wait3A_34 = arith.constant 0 : i32
    %dma_wait3A_35 = tpu.memref_slice %arg3[%dma_wait3A_33, %dma_wait3A_34] : memref<1000000x64xf32, #tpu.memory_space<hbm>> -> memref<1000000x64xf32, #tpu.memory_space<hbm>>
    tpu.wait_indirect_dma semaphore(%arg20 : memref<!tpu.dma_semaphore, #tpu.memory_space<semaphore_mem>>) src(%dma_wait3A_35 : memref<1000000x64xf32, #tpu.memory_space<hbm>>) dst(%arg12 : memref<128x64xf32, #tpu.memory_space<vmem>>)
    %add3A_36 = arith.constant 0 : i32
    %add3A_37 = arith.addi %mul3A_2, %add3A_36 : i32
    %dma_start3A_38 = arith.constant 0 : i32
    %dma_start3A_39 = tpu.memref_slice %arg7[%add3A_37, %dma_start3A_38] : memref<16384x64xf32, #tpu.memory_space<hbm>> -> memref<128x64xf32, #tpu.memory_space<hbm>>
    %dma_start3A_40 = arith.constant 0 : i32
    %dma_start3A_41 = tpu.memref_slice %arg7[%add3A_37, %dma_start3A_40] : memref<16384x64xf32, #tpu.memory_space<hbm>> -> memref<128x64xf32, #tpu.memory_space<hbm>>
    tpu.enqueue_dma source(%arg12 : memref<128x64xf32, #tpu.memory_space<vmem>>) target(%dma_start3A_41 : memref<128x64xf32, #tpu.memory_space<hbm>>) target_semaphore(%arg21 : memref<!tpu.dma_semaphore, #tpu.memory_space<semaphore_mem>>)
    %add3A_42 = arith.constant 0 : i32
    %add3A_43 = arith.addi %mul3A_2, %add3A_42 : i32
    %dma_wait3A_44 = arith.constant 0 : i32
    %dma_wait3A_45 = tpu.memref_slice %arg7[%add3A_43, %dma_wait3A_44] : memref<16384x64xf32, #tpu.memory_space<hbm>> -> memref<128x64xf32, #tpu.memory_space<hbm>>
    %dma_wait3A_46 = arith.constant 0 : i32
    %dma_wait3A_47 = tpu.memref_slice %arg7[%add3A_43, %dma_wait3A_46] : memref<16384x64xf32, #tpu.memory_space<hbm>> -> memref<128x64xf32, #tpu.memory_space<hbm>>
    tpu.wait_dma2 semaphore(%arg21 : memref<!tpu.dma_semaphore, #tpu.memory_space<semaphore_mem>>) src(%arg12 : memref<128x64xf32, #tpu.memory_space<vmem>>) dst(%dma_wait3A_47 : memref<128x64xf32, #tpu.memory_space<hbm>>)
    %dma_start3A_48 = arith.constant 4 : i32
    %dma_start3A_49 = arith.constant 0 : i32
    %dma_start3A_50 = tpu.memref_slice %arg11[%dma_start3A_48, %dma_start3A_49] : memref<16x128xi32, #tpu.memory_space<vmem>> -> memref<1x128xi32, #tpu.memory_space<vmem>>
    %dma_start3A_51 = tpu.memref_squeeze %dma_start3A_50 : memref<1x128xi32, #tpu.memory_space<vmem>> -> memref<128xi32, #tpu.memory_space<vmem>>
    %dma_start3A_52 = arith.constant 0 : i32
    %dma_start3A_53 = arith.constant 0 : i32
    %dma_start3A_54 = tpu.memref_slice %arg4[%dma_start3A_52, %dma_start3A_53] : memref<1000000x64xf32, #tpu.memory_space<hbm>> -> memref<1000000x64xf32, #tpu.memory_space<hbm>>
    tpu.enqueue_indirect_dma source(%dma_start3A_54 : memref<1000000x64xf32, #tpu.memory_space<hbm>>) target(%arg12 : memref<128x64xf32, #tpu.memory_space<vmem>>) offsets(%dma_start3A_51 : memref<128xi32, #tpu.memory_space<vmem>>) semaphore(%arg20 : memref<!tpu.dma_semaphore, #tpu.memory_space<semaphore_mem>>)
    %dma_wait3A_55 = arith.constant 1 : i32
    %dma_wait3A_56 = arith.constant 0 : i32
    %dma_wait3A_57 = tpu.memref_slice %arg11[%dma_wait3A_55, %dma_wait3A_56] : memref<16x128xi32, #tpu.memory_space<vmem>> -> memref<1x128xi32, #tpu.memory_space<vmem>>
    %dma_wait3A_58 = tpu.memref_squeeze %dma_wait3A_57 : memref<1x128xi32, #tpu.memory_space<vmem>> -> memref<128xi32, #tpu.memory_space<vmem>>
    %dma_wait3A_59 = arith.constant 0 : i32
    %dma_wait3A_60 = arith.constant 0 : i32
    %dma_wait3A_61 = tpu.memref_slice %arg3[%dma_wait3A_59, %dma_wait3A_60] : memref<1000000x64xf32, #tpu.memory_space<hbm>> -> memref<1000000x64xf32, #tpu.memory_space<hbm>>
    tpu.wait_indirect_dma semaphore(%arg20 : memref<!tpu.dma_semaphore, #tpu.memory_space<semaphore_mem>>) src(%dma_wait3A_61 : memref<1000000x64xf32, #tpu.memory_space<hbm>>) dst(%arg13 : memref<128x64xf32, #tpu.memory_space<vmem>>)
    %add3A_62 = arith.constant 128 : i32
    %add3A_63 = arith.addi %mul3A_2, %add3A_62 : i32
    %dma_start3A_64 = arith.constant 0 : i32
    %dma_start3A_65 = tpu.memref_slice %arg7[%add3A_63, %dma_start3A_64] : memref<16384x64xf32, #tpu.memory_space<hbm>> -> memref<128x64xf32, #tpu.memory_space<hbm>>
    %dma_start3A_66 = arith.constant 0 : i32
    %dma_start3A_67 = tpu.memref_slice %arg7[%add3A_63, %dma_start3A_66] : memref<16384x64xf32, #tpu.memory_space<hbm>> -> memref<128x64xf32, #tpu.memory_space<hbm>>
    tpu.enqueue_dma source(%arg13 : memref<128x64xf32, #tpu.memory_space<vmem>>) target(%dma_start3A_67 : memref<128x64xf32, #tpu.memory_space<hbm>>) target_semaphore(%arg21 : memref<!tpu.dma_semaphore, #tpu.memory_space<semaphore_mem>>)
    %add3A_68 = arith.constant 128 : i32
    %add3A_69 = arith.addi %mul3A_2, %add3A_68 : i32
    %dma_wait3A_70 = arith.constant 0 : i32
    %dma_wait3A_71 = tpu.memref_slice %arg7[%add3A_69, %dma_wait3A_70] : memref<16384x64xf32, #tpu.memory_space<hbm>> -> memref<128x64xf32, #tpu.memory_space<hbm>>
    %dma_wait3A_72 = arith.constant 0 : i32
    %dma_wait3A_73 = tpu.memref_slice %arg7[%add3A_69, %dma_wait3A_72] : memref<16384x64xf32, #tpu.memory_space<hbm>> -> memref<128x64xf32, #tpu.memory_space<hbm>>
    tpu.wait_dma2 semaphore(%arg21 : memref<!tpu.dma_semaphore, #tpu.memory_space<semaphore_mem>>) src(%arg13 : memref<128x64xf32, #tpu.memory_space<vmem>>) dst(%dma_wait3A_73 : memref<128x64xf32, #tpu.memory_space<hbm>>)
    %dma_start3A_74 = arith.constant 5 : i32
    %dma_start3A_75 = arith.constant 0 : i32
    %dma_start3A_76 = tpu.memref_slice %arg11[%dma_start3A_74, %dma_start3A_75] : memref<16x128xi32, #tpu.memory_space<vmem>> -> memref<1x128xi32, #tpu.memory_space<vmem>>
    %dma_start3A_77 = tpu.memref_squeeze %dma_start3A_76 : memref<1x128xi32, #tpu.memory_space<vmem>> -> memref<128xi32, #tpu.memory_space<vmem>>
    %dma_start3A_78 = arith.constant 0 : i32
    %dma_start3A_79 = arith.constant 0 : i32
    %dma_start3A_80 = tpu.memref_slice %arg4[%dma_start3A_78, %dma_start3A_79] : memref<1000000x64xf32, #tpu.memory_space<hbm>> -> memref<1000000x64xf32, #tpu.memory_space<hbm>>
    tpu.enqueue_indirect_dma source(%dma_start3A_80 : memref<1000000x64xf32, #tpu.memory_space<hbm>>) target(%arg13 : memref<128x64xf32, #tpu.memory_space<vmem>>) offsets(%dma_start3A_77 : memref<128xi32, #tpu.memory_space<vmem>>) semaphore(%arg20 : memref<!tpu.dma_semaphore, #tpu.memory_space<semaphore_mem>>)
    %dma_wait3A_81 = arith.constant 2 : i32
    %dma_wait3A_82 = arith.constant 0 : i32
    %dma_wait3A_83 = tpu.memref_slice %arg11[%dma_wait3A_81, %dma_wait3A_82] : memref<16x128xi32, #tpu.memory_space<vmem>> -> memref<1x128xi32, #tpu.memory_space<vmem>>
    %dma_wait3A_84 = tpu.memref_squeeze %dma_wait3A_83 : memref<1x128xi32, #tpu.memory_space<vmem>> -> memref<128xi32, #tpu.memory_space<vmem>>
    %dma_wait3A_85 = arith.constant 0 : i32
    %dma_wait3A_86 = arith.constant 0 : i32
    %dma_wait3A_87 = tpu.memref_slice %arg3[%dma_wait3A_85, %dma_wait3A_86] : memref<1000000x64xf32, #tpu.memory_space<hbm>> -> memref<1000000x64xf32, #tpu.memory_space<hbm>>
    tpu.wait_indirect_dma semaphore(%arg20 : memref<!tpu.dma_semaphore, #tpu.memory_space<semaphore_mem>>) src(%dma_wait3A_87 : memref<1000000x64xf32, #tpu.memory_space<hbm>>) dst(%arg14 : memref<128x64xf32, #tpu.memory_space<vmem>>)
    %add3A_88 = arith.constant 256 : i32
    %add3A_89 = arith.addi %mul3A_2, %add3A_88 : i32
    %dma_start3A_90 = arith.constant 0 : i32
    %dma_start3A_91 = tpu.memref_slice %arg7[%add3A_89, %dma_start3A_90] : memref<16384x64xf32, #tpu.memory_space<hbm>> -> memref<128x64xf32, #tpu.memory_space<hbm>>
    %dma_start3A_92 = arith.constant 0 : i32
    %dma_start3A_93 = tpu.memref_slice %arg7[%add3A_89, %dma_start3A_92] : memref<16384x64xf32, #tpu.memory_space<hbm>> -> memref<128x64xf32, #tpu.memory_space<hbm>>
    tpu.enqueue_dma source(%arg14 : memref<128x64xf32, #tpu.memory_space<vmem>>) target(%dma_start3A_93 : memref<128x64xf32, #tpu.memory_space<hbm>>) target_semaphore(%arg21 : memref<!tpu.dma_semaphore, #tpu.memory_space<semaphore_mem>>)
    %add3A_94 = arith.constant 256 : i32
    %add3A_95 = arith.addi %mul3A_2, %add3A_94 : i32
    %dma_wait3A_96 = arith.constant 0 : i32
    %dma_wait3A_97 = tpu.memref_slice %arg7[%add3A_95, %dma_wait3A_96] : memref<16384x64xf32, #tpu.memory_space<hbm>> -> memref<128x64xf32, #tpu.memory_space<hbm>>
    %dma_wait3A_98 = arith.constant 0 : i32
    %dma_wait3A_99 = tpu.memref_slice %arg7[%add3A_95, %dma_wait3A_98] : memref<16384x64xf32, #tpu.memory_space<hbm>> -> memref<128x64xf32, #tpu.memory_space<hbm>>
    tpu.wait_dma2 semaphore(%arg21 : memref<!tpu.dma_semaphore, #tpu.memory_space<semaphore_mem>>) src(%arg14 : memref<128x64xf32, #tpu.memory_space<vmem>>) dst(%dma_wait3A_99 : memref<128x64xf32, #tpu.memory_space<hbm>>)
    %dma_start3A_100 = arith.constant 6 : i32
    %dma_start3A_101 = arith.constant 0 : i32
    %dma_start3A_102 = tpu.memref_slice %arg11[%dma_start3A_100, %dma_start3A_101] : memref<16x128xi32, #tpu.memory_space<vmem>> -> memref<1x128xi32, #tpu.memory_space<vmem>>
    %dma_start3A_103 = tpu.memref_squeeze %dma_start3A_102 : memref<1x128xi32, #tpu.memory_space<vmem>> -> memref<128xi32, #tpu.memory_space<vmem>>
    %dma_start3A_104 = arith.constant 0 : i32
    %dma_start3A_105 = arith.constant 0 : i32
    %dma_start3A_106 = tpu.memref_slice %arg4[%dma_start3A_104, %dma_start3A_105] : memref<1000000x64xf32, #tpu.memory_space<hbm>> -> memref<1000000x64xf32, #tpu.memory_space<hbm>>
    tpu.enqueue_indirect_dma source(%dma_start3A_106 : memref<1000000x64xf32, #tpu.memory_space<hbm>>) target(%arg14 : memref<128x64xf32, #tpu.memory_space<vmem>>) offsets(%dma_start3A_103 : memref<128xi32, #tpu.memory_space<vmem>>) semaphore(%arg20 : memref<!tpu.dma_semaphore, #tpu.memory_space<semaphore_mem>>)
    %dma_wait3A_107 = arith.constant 3 : i32
    %dma_wait3A_108 = arith.constant 0 : i32
    %dma_wait3A_109 = tpu.memref_slice %arg11[%dma_wait3A_107, %dma_wait3A_108] : memref<16x128xi32, #tpu.memory_space<vmem>> -> memref<1x128xi32, #tpu.memory_space<vmem>>
    %dma_wait3A_110 = tpu.memref_squeeze %dma_wait3A_109 : memref<1x128xi32, #tpu.memory_space<vmem>> -> memref<128xi32, #tpu.memory_space<vmem>>
    %dma_wait3A_111 = arith.constant 0 : i32
    %dma_wait3A_112 = arith.constant 0 : i32
    %dma_wait3A_113 = tpu.memref_slice %arg3[%dma_wait3A_111, %dma_wait3A_112] : memref<1000000x64xf32, #tpu.memory_space<hbm>> -> memref<1000000x64xf32, #tpu.memory_space<hbm>>
    tpu.wait_indirect_dma semaphore(%arg20 : memref<!tpu.dma_semaphore, #tpu.memory_space<semaphore_mem>>) src(%dma_wait3A_113 : memref<1000000x64xf32, #tpu.memory_space<hbm>>) dst(%arg15 : memref<128x64xf32, #tpu.memory_space<vmem>>)
    %add3A_114 = arith.constant 384 : i32
    %add3A_115 = arith.addi %mul3A_2, %add3A_114 : i32
    %dma_start3A_116 = arith.constant 0 : i32
    %dma_start3A_117 = tpu.memref_slice %arg7[%add3A_115, %dma_start3A_116] : memref<16384x64xf32, #tpu.memory_space<hbm>> -> memref<128x64xf32, #tpu.memory_space<hbm>>
    %dma_start3A_118 = arith.constant 0 : i32
    %dma_start3A_119 = tpu.memref_slice %arg7[%add3A_115, %dma_start3A_118] : memref<16384x64xf32, #tpu.memory_space<hbm>> -> memref<128x64xf32, #tpu.memory_space<hbm>>
    tpu.enqueue_dma source(%arg15 : memref<128x64xf32, #tpu.memory_space<vmem>>) target(%dma_start3A_119 : memref<128x64xf32, #tpu.memory_space<hbm>>) target_semaphore(%arg21 : memref<!tpu.dma_semaphore, #tpu.memory_space<semaphore_mem>>)
    %add3A_120 = arith.constant 384 : i32
    %add3A_121 = arith.addi %mul3A_2, %add3A_120 : i32
    %dma_wait3A_122 = arith.constant 0 : i32
    %dma_wait3A_123 = tpu.memref_slice %arg7[%add3A_121, %dma_wait3A_122] : memref<16384x64xf32, #tpu.memory_space<hbm>> -> memref<128x64xf32, #tpu.memory_space<hbm>>
    %dma_wait3A_124 = arith.constant 0 : i32
    %dma_wait3A_125 = tpu.memref_slice %arg7[%add3A_121, %dma_wait3A_124] : memref<16384x64xf32, #tpu.memory_space<hbm>> -> memref<128x64xf32, #tpu.memory_space<hbm>>
    tpu.wait_dma2 semaphore(%arg21 : memref<!tpu.dma_semaphore, #tpu.memory_space<semaphore_mem>>) src(%arg15 : memref<128x64xf32, #tpu.memory_space<vmem>>) dst(%dma_wait3A_125 : memref<128x64xf32, #tpu.memory_space<hbm>>)
    %dma_start3A_126 = arith.constant 7 : i32
    %dma_start3A_127 = arith.constant 0 : i32
    %dma_start3A_128 = tpu.memref_slice %arg11[%dma_start3A_126, %dma_start3A_127] : memref<16x128xi32, #tpu.memory_space<vmem>> -> memref<1x128xi32, #tpu.memory_space<vmem>>
    %dma_start3A_129 = tpu.memref_squeeze %dma_start3A_128 : memref<1x128xi32, #tpu.memory_space<vmem>> -> memref<128xi32, #tpu.memory_space<vmem>>
    %dma_start3A_130 = arith.constant 0 : i32
    %dma_start3A_131 = arith.constant 0 : i32
    %dma_start3A_132 = tpu.memref_slice %arg4[%dma_start3A_130, %dma_start3A_131] : memref<1000000x64xf32, #tpu.memory_space<hbm>> -> memref<1000000x64xf32, #tpu.memory_space<hbm>>
    tpu.enqueue_indirect_dma source(%dma_start3A_132 : memref<1000000x64xf32, #tpu.memory_space<hbm>>) target(%arg15 : memref<128x64xf32, #tpu.memory_space<vmem>>) offsets(%dma_start3A_129 : memref<128xi32, #tpu.memory_space<vmem>>) semaphore(%arg20 : memref<!tpu.dma_semaphore, #tpu.memory_space<semaphore_mem>>)
    %dma_wait3A_133 = arith.constant 4 : i32
    %dma_wait3A_134 = arith.constant 0 : i32
    %dma_wait3A_135 = tpu.memref_slice %arg11[%dma_wait3A_133, %dma_wait3A_134] : memref<16x128xi32, #tpu.memory_space<vmem>> -> memref<1x128xi32, #tpu.memory_space<vmem>>
    %dma_wait3A_136 = tpu.memref_squeeze %dma_wait3A_135 : memref<1x128xi32, #tpu.memory_space<vmem>> -> memref<128xi32, #tpu.memory_space<vmem>>
    %dma_wait3A_137 = arith.constant 0 : i32
    %dma_wait3A_138 = arith.constant 0 : i32
    %dma_wait3A_139 = tpu.memref_slice %arg4[%dma_wait3A_137, %dma_wait3A_138] : memref<1000000x64xf32, #tpu.memory_space<hbm>> -> memref<1000000x64xf32, #tpu.memory_space<hbm>>
    tpu.wait_indirect_dma semaphore(%arg20 : memref<!tpu.dma_semaphore, #tpu.memory_space<semaphore_mem>>) src(%dma_wait3A_139 : memref<1000000x64xf32, #tpu.memory_space<hbm>>) dst(%arg12 : memref<128x64xf32, #tpu.memory_space<vmem>>)
    %add3A_140 = arith.constant 0 : i32
    %add3A_141 = arith.addi %mul3A_2, %add3A_140 : i32
    %dma_start3A_142 = arith.constant 0 : i32
    %dma_start3A_143 = tpu.memref_slice %arg8[%add3A_141, %dma_start3A_142] : memref<16384x64xf32, #tpu.memory_space<hbm>> -> memref<128x64xf32, #tpu.memory_space<hbm>>
    %dma_start3A_144 = arith.constant 0 : i32
    %dma_start3A_145 = tpu.memref_slice %arg8[%add3A_141, %dma_start3A_144] : memref<16384x64xf32, #tpu.memory_space<hbm>> -> memref<128x64xf32, #tpu.memory_space<hbm>>
    tpu.enqueue_dma source(%arg12 : memref<128x64xf32, #tpu.memory_space<vmem>>) target(%dma_start3A_145 : memref<128x64xf32, #tpu.memory_space<hbm>>) target_semaphore(%arg21 : memref<!tpu.dma_semaphore, #tpu.memory_space<semaphore_mem>>)
    %add3A_146 = arith.constant 0 : i32
    %add3A_147 = arith.addi %mul3A_2, %add3A_146 : i32
    %dma_wait3A_148 = arith.constant 0 : i32
    %dma_wait3A_149 = tpu.memref_slice %arg8[%add3A_147, %dma_wait3A_148] : memref<16384x64xf32, #tpu.memory_space<hbm>> -> memref<128x64xf32, #tpu.memory_space<hbm>>
    %dma_wait3A_150 = arith.constant 0 : i32
    %dma_wait3A_151 = tpu.memref_slice %arg8[%add3A_147, %dma_wait3A_150] : memref<16384x64xf32, #tpu.memory_space<hbm>> -> memref<128x64xf32, #tpu.memory_space<hbm>>
    tpu.wait_dma2 semaphore(%arg21 : memref<!tpu.dma_semaphore, #tpu.memory_space<semaphore_mem>>) src(%arg12 : memref<128x64xf32, #tpu.memory_space<vmem>>) dst(%dma_wait3A_151 : memref<128x64xf32, #tpu.memory_space<hbm>>)
    %dma_start3A_152 = arith.constant 8 : i32
    %dma_start3A_153 = arith.constant 0 : i32
    %dma_start3A_154 = tpu.memref_slice %arg11[%dma_start3A_152, %dma_start3A_153] : memref<16x128xi32, #tpu.memory_space<vmem>> -> memref<1x128xi32, #tpu.memory_space<vmem>>
    %dma_start3A_155 = tpu.memref_squeeze %dma_start3A_154 : memref<1x128xi32, #tpu.memory_space<vmem>> -> memref<128xi32, #tpu.memory_space<vmem>>
    %dma_start3A_156 = arith.constant 0 : i32
    %dma_start3A_157 = arith.constant 0 : i32
    %dma_start3A_158 = tpu.memref_slice %arg5[%dma_start3A_156, %dma_start3A_157] : memref<7813x128xf32, #tpu.memory_space<hbm>> -> memref<7813x128xf32, #tpu.memory_space<hbm>>
    tpu.enqueue_indirect_dma source(%dma_start3A_158 : memref<7813x128xf32, #tpu.memory_space<hbm>>) target(%arg16 : memref<128x128xf32, #tpu.memory_space<vmem>>) offsets(%dma_start3A_155 : memref<128xi32, #tpu.memory_space<vmem>>) semaphore(%arg20 : memref<!tpu.dma_semaphore, #tpu.memory_space<semaphore_mem>>)
    %dma_wait3A_159 = arith.constant 5 : i32
    %dma_wait3A_160 = arith.constant 0 : i32
    %dma_wait3A_161 = tpu.memref_slice %arg11[%dma_wait3A_159, %dma_wait3A_160] : memref<16x128xi32, #tpu.memory_space<vmem>> -> memref<1x128xi32, #tpu.memory_space<vmem>>
    %dma_wait3A_162 = tpu.memref_squeeze %dma_wait3A_161 : memref<1x128xi32, #tpu.memory_space<vmem>> -> memref<128xi32, #tpu.memory_space<vmem>>
    %dma_wait3A_163 = arith.constant 0 : i32
    %dma_wait3A_164 = arith.constant 0 : i32
    %dma_wait3A_165 = tpu.memref_slice %arg4[%dma_wait3A_163, %dma_wait3A_164] : memref<1000000x64xf32, #tpu.memory_space<hbm>> -> memref<1000000x64xf32, #tpu.memory_space<hbm>>
    tpu.wait_indirect_dma semaphore(%arg20 : memref<!tpu.dma_semaphore, #tpu.memory_space<semaphore_mem>>) src(%dma_wait3A_165 : memref<1000000x64xf32, #tpu.memory_space<hbm>>) dst(%arg13 : memref<128x64xf32, #tpu.memory_space<vmem>>)
    %add3A_166 = arith.constant 128 : i32
    %add3A_167 = arith.addi %mul3A_2, %add3A_166 : i32
    %dma_start3A_168 = arith.constant 0 : i32
    %dma_start3A_169 = tpu.memref_slice %arg8[%add3A_167, %dma_start3A_168] : memref<16384x64xf32, #tpu.memory_space<hbm>> -> memref<128x64xf32, #tpu.memory_space<hbm>>
    %dma_start3A_170 = arith.constant 0 : i32
    %dma_start3A_171 = tpu.memref_slice %arg8[%add3A_167, %dma_start3A_170] : memref<16384x64xf32, #tpu.memory_space<hbm>> -> memref<128x64xf32, #tpu.memory_space<hbm>>
    tpu.enqueue_dma source(%arg13 : memref<128x64xf32, #tpu.memory_space<vmem>>) target(%dma_start3A_171 : memref<128x64xf32, #tpu.memory_space<hbm>>) target_semaphore(%arg21 : memref<!tpu.dma_semaphore, #tpu.memory_space<semaphore_mem>>)
    %add3A_172 = arith.constant 128 : i32
    %add3A_173 = arith.addi %mul3A_2, %add3A_172 : i32
    %dma_wait3A_174 = arith.constant 0 : i32
    %dma_wait3A_175 = tpu.memref_slice %arg8[%add3A_173, %dma_wait3A_174] : memref<16384x64xf32, #tpu.memory_space<hbm>> -> memref<128x64xf32, #tpu.memory_space<hbm>>
    %dma_wait3A_176 = arith.constant 0 : i32
    %dma_wait3A_177 = tpu.memref_slice %arg8[%add3A_173, %dma_wait3A_176] : memref<16384x64xf32, #tpu.memory_space<hbm>> -> memref<128x64xf32, #tpu.memory_space<hbm>>
    tpu.wait_dma2 semaphore(%arg21 : memref<!tpu.dma_semaphore, #tpu.memory_space<semaphore_mem>>) src(%arg13 : memref<128x64xf32, #tpu.memory_space<vmem>>) dst(%dma_wait3A_177 : memref<128x64xf32, #tpu.memory_space<hbm>>)
    %dma_start3A_178 = arith.constant 9 : i32
    %dma_start3A_179 = arith.constant 0 : i32
    %dma_start3A_180 = tpu.memref_slice %arg11[%dma_start3A_178, %dma_start3A_179] : memref<16x128xi32, #tpu.memory_space<vmem>> -> memref<1x128xi32, #tpu.memory_space<vmem>>
    %dma_start3A_181 = tpu.memref_squeeze %dma_start3A_180 : memref<1x128xi32, #tpu.memory_space<vmem>> -> memref<128xi32, #tpu.memory_space<vmem>>
    %dma_start3A_182 = arith.constant 0 : i32
    %dma_start3A_183 = arith.constant 0 : i32
    %dma_start3A_184 = tpu.memref_slice %arg5[%dma_start3A_182, %dma_start3A_183] : memref<7813x128xf32, #tpu.memory_space<hbm>> -> memref<7813x128xf32, #tpu.memory_space<hbm>>
    tpu.enqueue_indirect_dma source(%dma_start3A_184 : memref<7813x128xf32, #tpu.memory_space<hbm>>) target(%arg17 : memref<128x128xf32, #tpu.memory_space<vmem>>) offsets(%dma_start3A_181 : memref<128xi32, #tpu.memory_space<vmem>>) semaphore(%arg20 : memref<!tpu.dma_semaphore, #tpu.memory_space<semaphore_mem>>)
    %dma_wait3A_185 = arith.constant 6 : i32
    %dma_wait3A_186 = arith.constant 0 : i32
    %dma_wait3A_187 = tpu.memref_slice %arg11[%dma_wait3A_185, %dma_wait3A_186] : memref<16x128xi32, #tpu.memory_space<vmem>> -> memref<1x128xi32, #tpu.memory_space<vmem>>
    %dma_wait3A_188 = tpu.memref_squeeze %dma_wait3A_187 : memref<1x128xi32, #tpu.memory_space<vmem>> -> memref<128xi32, #tpu.memory_space<vmem>>
    %dma_wait3A_189 = arith.constant 0 : i32
    %dma_wait3A_190 = arith.constant 0 : i32
    %dma_wait3A_191 = tpu.memref_slice %arg4[%dma_wait3A_189, %dma_wait3A_190] : memref<1000000x64xf32, #tpu.memory_space<hbm>> -> memref<1000000x64xf32, #tpu.memory_space<hbm>>
    tpu.wait_indirect_dma semaphore(%arg20 : memref<!tpu.dma_semaphore, #tpu.memory_space<semaphore_mem>>) src(%dma_wait3A_191 : memref<1000000x64xf32, #tpu.memory_space<hbm>>) dst(%arg14 : memref<128x64xf32, #tpu.memory_space<vmem>>)
    %add3A_192 = arith.constant 256 : i32
    %add3A_193 = arith.addi %mul3A_2, %add3A_192 : i32
    %dma_start3A_194 = arith.constant 0 : i32
    %dma_start3A_195 = tpu.memref_slice %arg8[%add3A_193, %dma_start3A_194] : memref<16384x64xf32, #tpu.memory_space<hbm>> -> memref<128x64xf32, #tpu.memory_space<hbm>>
    %dma_start3A_196 = arith.constant 0 : i32
    %dma_start3A_197 = tpu.memref_slice %arg8[%add3A_193, %dma_start3A_196] : memref<16384x64xf32, #tpu.memory_space<hbm>> -> memref<128x64xf32, #tpu.memory_space<hbm>>
    tpu.enqueue_dma source(%arg14 : memref<128x64xf32, #tpu.memory_space<vmem>>) target(%dma_start3A_197 : memref<128x64xf32, #tpu.memory_space<hbm>>) target_semaphore(%arg21 : memref<!tpu.dma_semaphore, #tpu.memory_space<semaphore_mem>>)
    %add3A_198 = arith.constant 256 : i32
    %add3A_199 = arith.addi %mul3A_2, %add3A_198 : i32
    %dma_wait3A_200 = arith.constant 0 : i32
    %dma_wait3A_201 = tpu.memref_slice %arg8[%add3A_199, %dma_wait3A_200] : memref<16384x64xf32, #tpu.memory_space<hbm>> -> memref<128x64xf32, #tpu.memory_space<hbm>>
    %dma_wait3A_202 = arith.constant 0 : i32
    %dma_wait3A_203 = tpu.memref_slice %arg8[%add3A_199, %dma_wait3A_202] : memref<16384x64xf32, #tpu.memory_space<hbm>> -> memref<128x64xf32, #tpu.memory_space<hbm>>
    tpu.wait_dma2 semaphore(%arg21 : memref<!tpu.dma_semaphore, #tpu.memory_space<semaphore_mem>>) src(%arg14 : memref<128x64xf32, #tpu.memory_space<vmem>>) dst(%dma_wait3A_203 : memref<128x64xf32, #tpu.memory_space<hbm>>)
    %dma_start3A_204 = arith.constant 10 : i32
    %dma_start3A_205 = arith.constant 0 : i32
    %dma_start3A_206 = tpu.memref_slice %arg11[%dma_start3A_204, %dma_start3A_205] : memref<16x128xi32, #tpu.memory_space<vmem>> -> memref<1x128xi32, #tpu.memory_space<vmem>>
    %dma_start3A_207 = tpu.memref_squeeze %dma_start3A_206 : memref<1x128xi32, #tpu.memory_space<vmem>> -> memref<128xi32, #tpu.memory_space<vmem>>
    %dma_start3A_208 = arith.constant 0 : i32
    %dma_start3A_209 = arith.constant 0 : i32
    %dma_start3A_210 = tpu.memref_slice %arg5[%dma_start3A_208, %dma_start3A_209] : memref<7813x128xf32, #tpu.memory_space<hbm>> -> memref<7813x128xf32, #tpu.memory_space<hbm>>
    tpu.enqueue_indirect_dma source(%dma_start3A_210 : memref<7813x128xf32, #tpu.memory_space<hbm>>) target(%arg18 : memref<128x128xf32, #tpu.memory_space<vmem>>) offsets(%dma_start3A_207 : memref<128xi32, #tpu.memory_space<vmem>>) semaphore(%arg20 : memref<!tpu.dma_semaphore, #tpu.memory_space<semaphore_mem>>)
    %dma_wait3A_211 = arith.constant 7 : i32
    %dma_wait3A_212 = arith.constant 0 : i32
    %dma_wait3A_213 = tpu.memref_slice %arg11[%dma_wait3A_211, %dma_wait3A_212] : memref<16x128xi32, #tpu.memory_space<vmem>> -> memref<1x128xi32, #tpu.memory_space<vmem>>
    %dma_wait3A_214 = tpu.memref_squeeze %dma_wait3A_213 : memref<1x128xi32, #tpu.memory_space<vmem>> -> memref<128xi32, #tpu.memory_space<vmem>>
    %dma_wait3A_215 = arith.constant 0 : i32
    %dma_wait3A_216 = arith.constant 0 : i32
    %dma_wait3A_217 = tpu.memref_slice %arg4[%dma_wait3A_215, %dma_wait3A_216] : memref<1000000x64xf32, #tpu.memory_space<hbm>> -> memref<1000000x64xf32, #tpu.memory_space<hbm>>
    tpu.wait_indirect_dma semaphore(%arg20 : memref<!tpu.dma_semaphore, #tpu.memory_space<semaphore_mem>>) src(%dma_wait3A_217 : memref<1000000x64xf32, #tpu.memory_space<hbm>>) dst(%arg15 : memref<128x64xf32, #tpu.memory_space<vmem>>)
    %add3A_218 = arith.constant 384 : i32
    %add3A_219 = arith.addi %mul3A_2, %add3A_218 : i32
    %dma_start3A_220 = arith.constant 0 : i32
    %dma_start3A_221 = tpu.memref_slice %arg8[%add3A_219, %dma_start3A_220] : memref<16384x64xf32, #tpu.memory_space<hbm>> -> memref<128x64xf32, #tpu.memory_space<hbm>>
    %dma_start3A_222 = arith.constant 0 : i32
    %dma_start3A_223 = tpu.memref_slice %arg8[%add3A_219, %dma_start3A_222] : memref<16384x64xf32, #tpu.memory_space<hbm>> -> memref<128x64xf32, #tpu.memory_space<hbm>>
    tpu.enqueue_dma source(%arg15 : memref<128x64xf32, #tpu.memory_space<vmem>>) target(%dma_start3A_223 : memref<128x64xf32, #tpu.memory_space<hbm>>) target_semaphore(%arg21 : memref<!tpu.dma_semaphore, #tpu.memory_space<semaphore_mem>>)
    %add3A_224 = arith.constant 384 : i32
    %add3A_225 = arith.addi %mul3A_2, %add3A_224 : i32
    %dma_wait3A_226 = arith.constant 0 : i32
    %dma_wait3A_227 = tpu.memref_slice %arg8[%add3A_225, %dma_wait3A_226] : memref<16384x64xf32, #tpu.memory_space<hbm>> -> memref<128x64xf32, #tpu.memory_space<hbm>>
    %dma_wait3A_228 = arith.constant 0 : i32
    %dma_wait3A_229 = tpu.memref_slice %arg8[%add3A_225, %dma_wait3A_228] : memref<16384x64xf32, #tpu.memory_space<hbm>> -> memref<128x64xf32, #tpu.memory_space<hbm>>
    tpu.wait_dma2 semaphore(%arg21 : memref<!tpu.dma_semaphore, #tpu.memory_space<semaphore_mem>>) src(%arg15 : memref<128x64xf32, #tpu.memory_space<vmem>>) dst(%dma_wait3A_229 : memref<128x64xf32, #tpu.memory_space<hbm>>)
    %dma_start3A_230 = arith.constant 11 : i32
    %dma_start3A_231 = arith.constant 0 : i32
    %dma_start3A_232 = tpu.memref_slice %arg11[%dma_start3A_230, %dma_start3A_231] : memref<16x128xi32, #tpu.memory_space<vmem>> -> memref<1x128xi32, #tpu.memory_space<vmem>>
    %dma_start3A_233 = tpu.memref_squeeze %dma_start3A_232 : memref<1x128xi32, #tpu.memory_space<vmem>> -> memref<128xi32, #tpu.memory_space<vmem>>
    %dma_start3A_234 = arith.constant 0 : i32
    %dma_start3A_235 = arith.constant 0 : i32
    %dma_start3A_236 = tpu.memref_slice %arg5[%dma_start3A_234, %dma_start3A_235] : memref<7813x128xf32, #tpu.memory_space<hbm>> -> memref<7813x128xf32, #tpu.memory_space<hbm>>
    tpu.enqueue_indirect_dma source(%dma_start3A_236 : memref<7813x128xf32, #tpu.memory_space<hbm>>) target(%arg19 : memref<128x128xf32, #tpu.memory_space<vmem>>) offsets(%dma_start3A_233 : memref<128xi32, #tpu.memory_space<vmem>>) semaphore(%arg20 : memref<!tpu.dma_semaphore, #tpu.memory_space<semaphore_mem>>)
    %dma_wait3A_237 = arith.constant 8 : i32
    %dma_wait3A_238 = arith.constant 0 : i32
    %dma_wait3A_239 = tpu.memref_slice %arg11[%dma_wait3A_237, %dma_wait3A_238] : memref<16x128xi32, #tpu.memory_space<vmem>> -> memref<1x128xi32, #tpu.memory_space<vmem>>
    %dma_wait3A_240 = tpu.memref_squeeze %dma_wait3A_239 : memref<1x128xi32, #tpu.memory_space<vmem>> -> memref<128xi32, #tpu.memory_space<vmem>>
    %dma_wait3A_241 = arith.constant 0 : i32
    %dma_wait3A_242 = arith.constant 0 : i32
    %dma_wait3A_243 = tpu.memref_slice %arg5[%dma_wait3A_241, %dma_wait3A_242] : memref<7813x128xf32, #tpu.memory_space<hbm>> -> memref<7813x128xf32, #tpu.memory_space<hbm>>
    tpu.wait_indirect_dma semaphore(%arg20 : memref<!tpu.dma_semaphore, #tpu.memory_space<semaphore_mem>>) src(%dma_wait3A_243 : memref<7813x128xf32, #tpu.memory_space<hbm>>) dst(%arg16 : memref<128x128xf32, #tpu.memory_space<vmem>>)
    %add3A_244 = arith.constant 0 : i32
    %add3A_245 = arith.addi %mul3A_2, %add3A_244 : i32
    %dma_start3A_246 = arith.constant 0 : i32
    %dma_start3A_247 = tpu.memref_slice %arg9[%add3A_245, %dma_start3A_246] : memref<16384x128xf32, #tpu.memory_space<hbm>> -> memref<128x128xf32, #tpu.memory_space<hbm>>
    %dma_start3A_248 = arith.constant 0 : i32
    %dma_start3A_249 = tpu.memref_slice %arg9[%add3A_245, %dma_start3A_248] : memref<16384x128xf32, #tpu.memory_space<hbm>> -> memref<128x128xf32, #tpu.memory_space<hbm>>
    tpu.enqueue_dma source(%arg16 : memref<128x128xf32, #tpu.memory_space<vmem>>) target(%dma_start3A_249 : memref<128x128xf32, #tpu.memory_space<hbm>>) target_semaphore(%arg21 : memref<!tpu.dma_semaphore, #tpu.memory_space<semaphore_mem>>)
    %add3A_250 = arith.constant 0 : i32
    %add3A_251 = arith.addi %mul3A_2, %add3A_250 : i32
    %dma_wait3A_252 = arith.constant 0 : i32
    %dma_wait3A_253 = tpu.memref_slice %arg9[%add3A_251, %dma_wait3A_252] : memref<16384x128xf32, #tpu.memory_space<hbm>> -> memref<128x128xf32, #tpu.memory_space<hbm>>
    %dma_wait3A_254 = arith.constant 0 : i32
    %dma_wait3A_255 = tpu.memref_slice %arg9[%add3A_251, %dma_wait3A_254] : memref<16384x128xf32, #tpu.memory_space<hbm>> -> memref<128x128xf32, #tpu.memory_space<hbm>>
    tpu.wait_dma2 semaphore(%arg21 : memref<!tpu.dma_semaphore, #tpu.memory_space<semaphore_mem>>) src(%arg16 : memref<128x128xf32, #tpu.memory_space<vmem>>) dst(%dma_wait3A_255 : memref<128x128xf32, #tpu.memory_space<hbm>>)
    %dma_start3A_256 = arith.constant 12 : i32
    %dma_start3A_257 = arith.constant 0 : i32
    %dma_start3A_258 = tpu.memref_slice %arg11[%dma_start3A_256, %dma_start3A_257] : memref<16x128xi32, #tpu.memory_space<vmem>> -> memref<1x128xi32, #tpu.memory_space<vmem>>
    %dma_start3A_259 = tpu.memref_squeeze %dma_start3A_258 : memref<1x128xi32, #tpu.memory_space<vmem>> -> memref<128xi32, #tpu.memory_space<vmem>>
    %dma_start3A_260 = arith.constant 0 : i32
    %dma_start3A_261 = arith.constant 0 : i32
    %dma_start3A_262 = tpu.memref_slice %arg6[%dma_start3A_260, %dma_start3A_261] : memref<7813x128xf32, #tpu.memory_space<hbm>> -> memref<7813x128xf32, #tpu.memory_space<hbm>>
    tpu.enqueue_indirect_dma source(%dma_start3A_262 : memref<7813x128xf32, #tpu.memory_space<hbm>>) target(%arg16 : memref<128x128xf32, #tpu.memory_space<vmem>>) offsets(%dma_start3A_259 : memref<128xi32, #tpu.memory_space<vmem>>) semaphore(%arg20 : memref<!tpu.dma_semaphore, #tpu.memory_space<semaphore_mem>>)
    %dma_wait3A_263 = arith.constant 9 : i32
    %dma_wait3A_264 = arith.constant 0 : i32
    %dma_wait3A_265 = tpu.memref_slice %arg11[%dma_wait3A_263, %dma_wait3A_264] : memref<16x128xi32, #tpu.memory_space<vmem>> -> memref<1x128xi32, #tpu.memory_space<vmem>>
    %dma_wait3A_266 = tpu.memref_squeeze %dma_wait3A_265 : memref<1x128xi32, #tpu.memory_space<vmem>> -> memref<128xi32, #tpu.memory_space<vmem>>
    %dma_wait3A_267 = arith.constant 0 : i32
    %dma_wait3A_268 = arith.constant 0 : i32
    %dma_wait3A_269 = tpu.memref_slice %arg5[%dma_wait3A_267, %dma_wait3A_268] : memref<7813x128xf32, #tpu.memory_space<hbm>> -> memref<7813x128xf32, #tpu.memory_space<hbm>>
    tpu.wait_indirect_dma semaphore(%arg20 : memref<!tpu.dma_semaphore, #tpu.memory_space<semaphore_mem>>) src(%dma_wait3A_269 : memref<7813x128xf32, #tpu.memory_space<hbm>>) dst(%arg17 : memref<128x128xf32, #tpu.memory_space<vmem>>)
    %add3A_270 = arith.constant 128 : i32
    %add3A_271 = arith.addi %mul3A_2, %add3A_270 : i32
    %dma_start3A_272 = arith.constant 0 : i32
    %dma_start3A_273 = tpu.memref_slice %arg9[%add3A_271, %dma_start3A_272] : memref<16384x128xf32, #tpu.memory_space<hbm>> -> memref<128x128xf32, #tpu.memory_space<hbm>>
    %dma_start3A_274 = arith.constant 0 : i32
    %dma_start3A_275 = tpu.memref_slice %arg9[%add3A_271, %dma_start3A_274] : memref<16384x128xf32, #tpu.memory_space<hbm>> -> memref<128x128xf32, #tpu.memory_space<hbm>>
    tpu.enqueue_dma source(%arg17 : memref<128x128xf32, #tpu.memory_space<vmem>>) target(%dma_start3A_275 : memref<128x128xf32, #tpu.memory_space<hbm>>) target_semaphore(%arg21 : memref<!tpu.dma_semaphore, #tpu.memory_space<semaphore_mem>>)
    %add3A_276 = arith.constant 128 : i32
    %add3A_277 = arith.addi %mul3A_2, %add3A_276 : i32
    %dma_wait3A_278 = arith.constant 0 : i32
    %dma_wait3A_279 = tpu.memref_slice %arg9[%add3A_277, %dma_wait3A_278] : memref<16384x128xf32, #tpu.memory_space<hbm>> -> memref<128x128xf32, #tpu.memory_space<hbm>>
    %dma_wait3A_280 = arith.constant 0 : i32
    %dma_wait3A_281 = tpu.memref_slice %arg9[%add3A_277, %dma_wait3A_280] : memref<16384x128xf32, #tpu.memory_space<hbm>> -> memref<128x128xf32, #tpu.memory_space<hbm>>
    tpu.wait_dma2 semaphore(%arg21 : memref<!tpu.dma_semaphore, #tpu.memory_space<semaphore_mem>>) src(%arg17 : memref<128x128xf32, #tpu.memory_space<vmem>>) dst(%dma_wait3A_281 : memref<128x128xf32, #tpu.memory_space<hbm>>)
    %dma_start3A_282 = arith.constant 13 : i32
    %dma_start3A_283 = arith.constant 0 : i32
    %dma_start3A_284 = tpu.memref_slice %arg11[%dma_start3A_282, %dma_start3A_283] : memref<16x128xi32, #tpu.memory_space<vmem>> -> memref<1x128xi32, #tpu.memory_space<vmem>>
    %dma_start3A_285 = tpu.memref_squeeze %dma_start3A_284 : memref<1x128xi32, #tpu.memory_space<vmem>> -> memref<128xi32, #tpu.memory_space<vmem>>
    %dma_start3A_286 = arith.constant 0 : i32
    %dma_start3A_287 = arith.constant 0 : i32
    %dma_start3A_288 = tpu.memref_slice %arg6[%dma_start3A_286, %dma_start3A_287] : memref<7813x128xf32, #tpu.memory_space<hbm>> -> memref<7813x128xf32, #tpu.memory_space<hbm>>
    tpu.enqueue_indirect_dma source(%dma_start3A_288 : memref<7813x128xf32, #tpu.memory_space<hbm>>) target(%arg17 : memref<128x128xf32, #tpu.memory_space<vmem>>) offsets(%dma_start3A_285 : memref<128xi32, #tpu.memory_space<vmem>>) semaphore(%arg20 : memref<!tpu.dma_semaphore, #tpu.memory_space<semaphore_mem>>)
    %dma_wait3A_289 = arith.constant 10 : i32
    %dma_wait3A_290 = arith.constant 0 : i32
    %dma_wait3A_291 = tpu.memref_slice %arg11[%dma_wait3A_289, %dma_wait3A_290] : memref<16x128xi32, #tpu.memory_space<vmem>> -> memref<1x128xi32, #tpu.memory_space<vmem>>
    %dma_wait3A_292 = tpu.memref_squeeze %dma_wait3A_291 : memref<1x128xi32, #tpu.memory_space<vmem>> -> memref<128xi32, #tpu.memory_space<vmem>>
    %dma_wait3A_293 = arith.constant 0 : i32
    %dma_wait3A_294 = arith.constant 0 : i32
    %dma_wait3A_295 = tpu.memref_slice %arg5[%dma_wait3A_293, %dma_wait3A_294] : memref<7813x128xf32, #tpu.memory_space<hbm>> -> memref<7813x128xf32, #tpu.memory_space<hbm>>
    tpu.wait_indirect_dma semaphore(%arg20 : memref<!tpu.dma_semaphore, #tpu.memory_space<semaphore_mem>>) src(%dma_wait3A_295 : memref<7813x128xf32, #tpu.memory_space<hbm>>) dst(%arg18 : memref<128x128xf32, #tpu.memory_space<vmem>>)
    %add3A_296 = arith.constant 256 : i32
    %add3A_297 = arith.addi %mul3A_2, %add3A_296 : i32
    %dma_start3A_298 = arith.constant 0 : i32
    %dma_start3A_299 = tpu.memref_slice %arg9[%add3A_297, %dma_start3A_298] : memref<16384x128xf32, #tpu.memory_space<hbm>> -> memref<128x128xf32, #tpu.memory_space<hbm>>
    %dma_start3A_300 = arith.constant 0 : i32
    %dma_start3A_301 = tpu.memref_slice %arg9[%add3A_297, %dma_start3A_300] : memref<16384x128xf32, #tpu.memory_space<hbm>> -> memref<128x128xf32, #tpu.memory_space<hbm>>
    tpu.enqueue_dma source(%arg18 : memref<128x128xf32, #tpu.memory_space<vmem>>) target(%dma_start3A_301 : memref<128x128xf32, #tpu.memory_space<hbm>>) target_semaphore(%arg21 : memref<!tpu.dma_semaphore, #tpu.memory_space<semaphore_mem>>)
    %add3A_302 = arith.constant 256 : i32
    %add3A_303 = arith.addi %mul3A_2, %add3A_302 : i32
    %dma_wait3A_304 = arith.constant 0 : i32
    %dma_wait3A_305 = tpu.memref_slice %arg9[%add3A_303, %dma_wait3A_304] : memref<16384x128xf32, #tpu.memory_space<hbm>> -> memref<128x128xf32, #tpu.memory_space<hbm>>
    %dma_wait3A_306 = arith.constant 0 : i32
    %dma_wait3A_307 = tpu.memref_slice %arg9[%add3A_303, %dma_wait3A_306] : memref<16384x128xf32, #tpu.memory_space<hbm>> -> memref<128x128xf32, #tpu.memory_space<hbm>>
    tpu.wait_dma2 semaphore(%arg21 : memref<!tpu.dma_semaphore, #tpu.memory_space<semaphore_mem>>) src(%arg18 : memref<128x128xf32, #tpu.memory_space<vmem>>) dst(%dma_wait3A_307 : memref<128x128xf32, #tpu.memory_space<hbm>>)
    %dma_start3A_308 = arith.constant 14 : i32
    %dma_start3A_309 = arith.constant 0 : i32
    %dma_start3A_310 = tpu.memref_slice %arg11[%dma_start3A_308, %dma_start3A_309] : memref<16x128xi32, #tpu.memory_space<vmem>> -> memref<1x128xi32, #tpu.memory_space<vmem>>
    %dma_start3A_311 = tpu.memref_squeeze %dma_start3A_310 : memref<1x128xi32, #tpu.memory_space<vmem>> -> memref<128xi32, #tpu.memory_space<vmem>>
    %dma_start3A_312 = arith.constant 0 : i32
    %dma_start3A_313 = arith.constant 0 : i32
    %dma_start3A_314 = tpu.memref_slice %arg6[%dma_start3A_312, %dma_start3A_313] : memref<7813x128xf32, #tpu.memory_space<hbm>> -> memref<7813x128xf32, #tpu.memory_space<hbm>>
    tpu.enqueue_indirect_dma source(%dma_start3A_314 : memref<7813x128xf32, #tpu.memory_space<hbm>>) target(%arg18 : memref<128x128xf32, #tpu.memory_space<vmem>>) offsets(%dma_start3A_311 : memref<128xi32, #tpu.memory_space<vmem>>) semaphore(%arg20 : memref<!tpu.dma_semaphore, #tpu.memory_space<semaphore_mem>>)
    %dma_wait3A_315 = arith.constant 11 : i32
    %dma_wait3A_316 = arith.constant 0 : i32
    %dma_wait3A_317 = tpu.memref_slice %arg11[%dma_wait3A_315, %dma_wait3A_316] : memref<16x128xi32, #tpu.memory_space<vmem>> -> memref<1x128xi32, #tpu.memory_space<vmem>>
    %dma_wait3A_318 = tpu.memref_squeeze %dma_wait3A_317 : memref<1x128xi32, #tpu.memory_space<vmem>> -> memref<128xi32, #tpu.memory_space<vmem>>
    %dma_wait3A_319 = arith.constant 0 : i32
    %dma_wait3A_320 = arith.constant 0 : i32
    %dma_wait3A_321 = tpu.memref_slice %arg5[%dma_wait3A_319, %dma_wait3A_320] : memref<7813x128xf32, #tpu.memory_space<hbm>> -> memref<7813x128xf32, #tpu.memory_space<hbm>>
    tpu.wait_indirect_dma semaphore(%arg20 : memref<!tpu.dma_semaphore, #tpu.memory_space<semaphore_mem>>) src(%dma_wait3A_321 : memref<7813x128xf32, #tpu.memory_space<hbm>>) dst(%arg19 : memref<128x128xf32, #tpu.memory_space<vmem>>)
    %add3A_322 = arith.constant 384 : i32
    %add3A_323 = arith.addi %mul3A_2, %add3A_322 : i32
    %dma_start3A_324 = arith.constant 0 : i32
    %dma_start3A_325 = tpu.memref_slice %arg9[%add3A_323, %dma_start3A_324] : memref<16384x128xf32, #tpu.memory_space<hbm>> -> memref<128x128xf32, #tpu.memory_space<hbm>>
    %dma_start3A_326 = arith.constant 0 : i32
    %dma_start3A_327 = tpu.memref_slice %arg9[%add3A_323, %dma_start3A_326] : memref<16384x128xf32, #tpu.memory_space<hbm>> -> memref<128x128xf32, #tpu.memory_space<hbm>>
    tpu.enqueue_dma source(%arg19 : memref<128x128xf32, #tpu.memory_space<vmem>>) target(%dma_start3A_327 : memref<128x128xf32, #tpu.memory_space<hbm>>) target_semaphore(%arg21 : memref<!tpu.dma_semaphore, #tpu.memory_space<semaphore_mem>>)
    %add3A_328 = arith.constant 384 : i32
    %add3A_329 = arith.addi %mul3A_2, %add3A_328 : i32
    %dma_wait3A_330 = arith.constant 0 : i32
    %dma_wait3A_331 = tpu.memref_slice %arg9[%add3A_329, %dma_wait3A_330] : memref<16384x128xf32, #tpu.memory_space<hbm>> -> memref<128x128xf32, #tpu.memory_space<hbm>>
    %dma_wait3A_332 = arith.constant 0 : i32
    %dma_wait3A_333 = tpu.memref_slice %arg9[%add3A_329, %dma_wait3A_332] : memref<16384x128xf32, #tpu.memory_space<hbm>> -> memref<128x128xf32, #tpu.memory_space<hbm>>
    tpu.wait_dma2 semaphore(%arg21 : memref<!tpu.dma_semaphore, #tpu.memory_space<semaphore_mem>>) src(%arg19 : memref<128x128xf32, #tpu.memory_space<vmem>>) dst(%dma_wait3A_333 : memref<128x128xf32, #tpu.memory_space<hbm>>)
    %dma_start3A_334 = arith.constant 15 : i32
    %dma_start3A_335 = arith.constant 0 : i32
    %dma_start3A_336 = tpu.memref_slice %arg11[%dma_start3A_334, %dma_start3A_335] : memref<16x128xi32, #tpu.memory_space<vmem>> -> memref<1x128xi32, #tpu.memory_space<vmem>>
    %dma_start3A_337 = tpu.memref_squeeze %dma_start3A_336 : memref<1x128xi32, #tpu.memory_space<vmem>> -> memref<128xi32, #tpu.memory_space<vmem>>
    %dma_start3A_338 = arith.constant 0 : i32
    %dma_start3A_339 = arith.constant 0 : i32
    %dma_start3A_340 = tpu.memref_slice %arg6[%dma_start3A_338, %dma_start3A_339] : memref<7813x128xf32, #tpu.memory_space<hbm>> -> memref<7813x128xf32, #tpu.memory_space<hbm>>
    tpu.enqueue_indirect_dma source(%dma_start3A_340 : memref<7813x128xf32, #tpu.memory_space<hbm>>) target(%arg19 : memref<128x128xf32, #tpu.memory_space<vmem>>) offsets(%dma_start3A_337 : memref<128xi32, #tpu.memory_space<vmem>>) semaphore(%arg20 : memref<!tpu.dma_semaphore, #tpu.memory_space<semaphore_mem>>)
    %dma_wait3A_341 = arith.constant 12 : i32
    %dma_wait3A_342 = arith.constant 0 : i32
    %dma_wait3A_343 = tpu.memref_slice %arg11[%dma_wait3A_341, %dma_wait3A_342] : memref<16x128xi32, #tpu.memory_space<vmem>> -> memref<1x128xi32, #tpu.memory_space<vmem>>
    %dma_wait3A_344 = tpu.memref_squeeze %dma_wait3A_343 : memref<1x128xi32, #tpu.memory_space<vmem>> -> memref<128xi32, #tpu.memory_space<vmem>>
    %dma_wait3A_345 = arith.constant 0 : i32
    %dma_wait3A_346 = arith.constant 0 : i32
    %dma_wait3A_347 = tpu.memref_slice %arg6[%dma_wait3A_345, %dma_wait3A_346] : memref<7813x128xf32, #tpu.memory_space<hbm>> -> memref<7813x128xf32, #tpu.memory_space<hbm>>
    tpu.wait_indirect_dma semaphore(%arg20 : memref<!tpu.dma_semaphore, #tpu.memory_space<semaphore_mem>>) src(%dma_wait3A_347 : memref<7813x128xf32, #tpu.memory_space<hbm>>) dst(%arg16 : memref<128x128xf32, #tpu.memory_space<vmem>>)
    %add3A_348 = arith.constant 0 : i32
    %add3A_349 = arith.addi %mul3A_2, %add3A_348 : i32
    %dma_start3A_350 = arith.constant 0 : i32
    %dma_start3A_351 = tpu.memref_slice %arg10[%add3A_349, %dma_start3A_350] : memref<16384x128xf32, #tpu.memory_space<hbm>> -> memref<128x128xf32, #tpu.memory_space<hbm>>
    %dma_start3A_352 = arith.constant 0 : i32
    %dma_start3A_353 = tpu.memref_slice %arg10[%add3A_349, %dma_start3A_352] : memref<16384x128xf32, #tpu.memory_space<hbm>> -> memref<128x128xf32, #tpu.memory_space<hbm>>
    tpu.enqueue_dma source(%arg16 : memref<128x128xf32, #tpu.memory_space<vmem>>) target(%dma_start3A_353 : memref<128x128xf32, #tpu.memory_space<hbm>>) target_semaphore(%arg21 : memref<!tpu.dma_semaphore, #tpu.memory_space<semaphore_mem>>)
    %dma_wait3A_354 = arith.constant 13 : i32
    %dma_wait3A_355 = arith.constant 0 : i32
    %dma_wait3A_356 = tpu.memref_slice %arg11[%dma_wait3A_354, %dma_wait3A_355] : memref<16x128xi32, #tpu.memory_space<vmem>> -> memref<1x128xi32, #tpu.memory_space<vmem>>
    %dma_wait3A_357 = tpu.memref_squeeze %dma_wait3A_356 : memref<1x128xi32, #tpu.memory_space<vmem>> -> memref<128xi32, #tpu.memory_space<vmem>>
    %dma_wait3A_358 = arith.constant 0 : i32
    %dma_wait3A_359 = arith.constant 0 : i32
    %dma_wait3A_360 = tpu.memref_slice %arg6[%dma_wait3A_358, %dma_wait3A_359] : memref<7813x128xf32, #tpu.memory_space<hbm>> -> memref<7813x128xf32, #tpu.memory_space<hbm>>
    tpu.wait_indirect_dma semaphore(%arg20 : memref<!tpu.dma_semaphore, #tpu.memory_space<semaphore_mem>>) src(%dma_wait3A_360 : memref<7813x128xf32, #tpu.memory_space<hbm>>) dst(%arg17 : memref<128x128xf32, #tpu.memory_space<vmem>>)
    %add3A_361 = arith.constant 128 : i32
    %add3A_362 = arith.addi %mul3A_2, %add3A_361 : i32
    %dma_start3A_363 = arith.constant 0 : i32
    %dma_start3A_364 = tpu.memref_slice %arg10[%add3A_362, %dma_start3A_363] : memref<16384x128xf32, #tpu.memory_space<hbm>> -> memref<128x128xf32, #tpu.memory_space<hbm>>
    %dma_start3A_365 = arith.constant 0 : i32
    %dma_start3A_366 = tpu.memref_slice %arg10[%add3A_362, %dma_start3A_365] : memref<16384x128xf32, #tpu.memory_space<hbm>> -> memref<128x128xf32, #tpu.memory_space<hbm>>
    tpu.enqueue_dma source(%arg17 : memref<128x128xf32, #tpu.memory_space<vmem>>) target(%dma_start3A_366 : memref<128x128xf32, #tpu.memory_space<hbm>>) target_semaphore(%arg21 : memref<!tpu.dma_semaphore, #tpu.memory_space<semaphore_mem>>)
    %dma_wait3A_367 = arith.constant 14 : i32
    %dma_wait3A_368 = arith.constant 0 : i32
    %dma_wait3A_369 = tpu.memref_slice %arg11[%dma_wait3A_367, %dma_wait3A_368] : memref<16x128xi32, #tpu.memory_space<vmem>> -> memref<1x128xi32, #tpu.memory_space<vmem>>
    %dma_wait3A_370 = tpu.memref_squeeze %dma_wait3A_369 : memref<1x128xi32, #tpu.memory_space<vmem>> -> memref<128xi32, #tpu.memory_space<vmem>>
    %dma_wait3A_371 = arith.constant 0 : i32
    %dma_wait3A_372 = arith.constant 0 : i32
    %dma_wait3A_373 = tpu.memref_slice %arg6[%dma_wait3A_371, %dma_wait3A_372] : memref<7813x128xf32, #tpu.memory_space<hbm>> -> memref<7813x128xf32, #tpu.memory_space<hbm>>
    tpu.wait_indirect_dma semaphore(%arg20 : memref<!tpu.dma_semaphore, #tpu.memory_space<semaphore_mem>>) src(%dma_wait3A_373 : memref<7813x128xf32, #tpu.memory_space<hbm>>) dst(%arg18 : memref<128x128xf32, #tpu.memory_space<vmem>>)
    %add3A_374 = arith.constant 256 : i32
    %add3A_375 = arith.addi %mul3A_2, %add3A_374 : i32
    %dma_start3A_376 = arith.constant 0 : i32
    %dma_start3A_377 = tpu.memref_slice %arg10[%add3A_375, %dma_start3A_376] : memref<16384x128xf32, #tpu.memory_space<hbm>> -> memref<128x128xf32, #tpu.memory_space<hbm>>
    %dma_start3A_378 = arith.constant 0 : i32
    %dma_start3A_379 = tpu.memref_slice %arg10[%add3A_375, %dma_start3A_378] : memref<16384x128xf32, #tpu.memory_space<hbm>> -> memref<128x128xf32, #tpu.memory_space<hbm>>
    tpu.enqueue_dma source(%arg18 : memref<128x128xf32, #tpu.memory_space<vmem>>) target(%dma_start3A_379 : memref<128x128xf32, #tpu.memory_space<hbm>>) target_semaphore(%arg21 : memref<!tpu.dma_semaphore, #tpu.memory_space<semaphore_mem>>)
    %dma_wait3A_380 = arith.constant 15 : i32
    %dma_wait3A_381 = arith.constant 0 : i32
    %dma_wait3A_382 = tpu.memref_slice %arg11[%dma_wait3A_380, %dma_wait3A_381] : memref<16x128xi32, #tpu.memory_space<vmem>> -> memref<1x128xi32, #tpu.memory_space<vmem>>
    %dma_wait3A_383 = tpu.memref_squeeze %dma_wait3A_382 : memref<1x128xi32, #tpu.memory_space<vmem>> -> memref<128xi32, #tpu.memory_space<vmem>>
    %dma_wait3A_384 = arith.constant 0 : i32
    %dma_wait3A_385 = arith.constant 0 : i32
    %dma_wait3A_386 = tpu.memref_slice %arg6[%dma_wait3A_384, %dma_wait3A_385] : memref<7813x128xf32, #tpu.memory_space<hbm>> -> memref<7813x128xf32, #tpu.memory_space<hbm>>
    tpu.wait_indirect_dma semaphore(%arg20 : memref<!tpu.dma_semaphore, #tpu.memory_space<semaphore_mem>>) src(%dma_wait3A_386 : memref<7813x128xf32, #tpu.memory_space<hbm>>) dst(%arg19 : memref<128x128xf32, #tpu.memory_space<vmem>>)
    %add3A_387 = arith.constant 384 : i32
    %add3A_388 = arith.addi %mul3A_2, %add3A_387 : i32
    %dma_start3A_389 = arith.constant 0 : i32
    %dma_start3A_390 = tpu.memref_slice %arg10[%add3A_388, %dma_start3A_389] : memref<16384x128xf32, #tpu.memory_space<hbm>> -> memref<128x128xf32, #tpu.memory_space<hbm>>
    %dma_start3A_391 = arith.constant 0 : i32
    %dma_start3A_392 = tpu.memref_slice %arg10[%add3A_388, %dma_start3A_391] : memref<16384x128xf32, #tpu.memory_space<hbm>> -> memref<128x128xf32, #tpu.memory_space<hbm>>
    tpu.enqueue_dma source(%arg19 : memref<128x128xf32, #tpu.memory_space<vmem>>) target(%dma_start3A_392 : memref<128x128xf32, #tpu.memory_space<hbm>>) target_semaphore(%arg21 : memref<!tpu.dma_semaphore, #tpu.memory_space<semaphore_mem>>)
    %add3A_393 = arith.constant 0 : i32
    %add3A_394 = arith.addi %mul3A_2, %add3A_393 : i32
    %dma_wait3A_395 = arith.constant 0 : i32
    %dma_wait3A_396 = tpu.memref_slice %arg10[%add3A_394, %dma_wait3A_395] : memref<16384x128xf32, #tpu.memory_space<hbm>> -> memref<128x128xf32, #tpu.memory_space<hbm>>
    %dma_wait3A_397 = arith.constant 0 : i32
    %dma_wait3A_398 = tpu.memref_slice %arg10[%add3A_394, %dma_wait3A_397] : memref<16384x128xf32, #tpu.memory_space<hbm>> -> memref<128x128xf32, #tpu.memory_space<hbm>>
    tpu.wait_dma2 semaphore(%arg21 : memref<!tpu.dma_semaphore, #tpu.memory_space<semaphore_mem>>) src(%arg16 : memref<128x128xf32, #tpu.memory_space<vmem>>) dst(%dma_wait3A_398 : memref<128x128xf32, #tpu.memory_space<hbm>>)
    %add3A_399 = arith.constant 128 : i32
    %add3A_400 = arith.addi %mul3A_2, %add3A_399 : i32
    %dma_wait3A_401 = arith.constant 0 : i32
    %dma_wait3A_402 = tpu.memref_slice %arg10[%add3A_400, %dma_wait3A_401] : memref<16384x128xf32, #tpu.memory_space<hbm>> -> memref<128x128xf32, #tpu.memory_space<hbm>>
    %dma_wait3A_403 = arith.constant 0 : i32
    %dma_wait3A_404 = tpu.memref_slice %arg10[%add3A_400, %dma_wait3A_403] : memref<16384x128xf32, #tpu.memory_space<hbm>> -> memref<128x128xf32, #tpu.memory_space<hbm>>
    tpu.wait_dma2 semaphore(%arg21 : memref<!tpu.dma_semaphore, #tpu.memory_space<semaphore_mem>>) src(%arg17 : memref<128x128xf32, #tpu.memory_space<vmem>>) dst(%dma_wait3A_404 : memref<128x128xf32, #tpu.memory_space<hbm>>)
    %add3A_405 = arith.constant 256 : i32
    %add3A_406 = arith.addi %mul3A_2, %add3A_405 : i32
    %dma_wait3A_407 = arith.constant 0 : i32
    %dma_wait3A_408 = tpu.memref_slice %arg10[%add3A_406, %dma_wait3A_407] : memref<16384x128xf32, #tpu.memory_space<hbm>> -> memref<128x128xf32, #tpu.memory_space<hbm>>
    %dma_wait3A_409 = arith.constant 0 : i32
    %dma_wait3A_410 = tpu.memref_slice %arg10[%add3A_406, %dma_wait3A_409] : memref<16384x128xf32, #tpu.memory_space<hbm>> -> memref<128x128xf32, #tpu.memory_space<hbm>>
    tpu.wait_dma2 semaphore(%arg21 : memref<!tpu.dma_semaphore, #tpu.memory_space<semaphore_mem>>) src(%arg18 : memref<128x128xf32, #tpu.memory_space<vmem>>) dst(%dma_wait3A_410 : memref<128x128xf32, #tpu.memory_space<hbm>>)
    %add3A_411 = arith.constant 384 : i32
    %add3A_412 = arith.addi %mul3A_2, %add3A_411 : i32
    %dma_wait3A_413 = arith.constant 0 : i32
    %dma_wait3A_414 = tpu.memref_slice %arg10[%add3A_412, %dma_wait3A_413] : memref<16384x128xf32, #tpu.memory_space<hbm>> -> memref<128x128xf32, #tpu.memory_space<hbm>>
    %dma_wait3A_415 = arith.constant 0 : i32
    %dma_wait3A_416 = tpu.memref_slice %arg10[%add3A_412, %dma_wait3A_415] : memref<16384x128xf32, #tpu.memory_space<hbm>> -> memref<128x128xf32, #tpu.memory_space<hbm>>
    tpu.wait_dma2 semaphore(%arg21 : memref<!tpu.dma_semaphore, #tpu.memory_space<semaphore_mem>>) src(%arg19 : memref<128x128xf32, #tpu.memory_space<vmem>>) dst(%dma_wait3A_416 : memref<128x128xf32, #tpu.memory_space<hbm>>)
    return
  }
}

</mosaic_0001>

<sc_bundles>
// kernel: _sc_gather.3.cloned.1.call-start
scs
__scs_entry_jumppad:
0x0: {  	(pc) =	sbr.rel $0x88, $3  }
0x1: {  	(tag) =	ssettag $0x0;
	lr =	simm.s32 $0x1  }
0x2: {  	[smem:$0x3F9C] =	sst lr;
	_ =	strace $0xD0000000  }
0x3: {  	_ = 	snop  }
0x4: {  	_ = 	snop  }
0x5: {  	_ = 	snop  }
0x6: {  	_ = 	snop  }
0x7: {  	_ = 	snop  }
__scs_overlays_trampoline_lowered:
0x8: {  	[smem:$0x3FAB] =	sst s0  }
0x9: {  	[smem:$0x3FAC] =	sst s1  }
0xa: {  	[smem:$0x3FAD] =	sst s2  }
0xb: {  	[smem:$0x3FAE] =	sst s3  }
0xc: {  	[smem:$0x3FAF] =	sst s4  }
0xd: {  	[smem:$0x3FB0] =	sst s5  }
0xe: {  	[smem:$0x3FB1] =	sst s6  }
0xf: {  	[smem:$0x3FB2] =	sst s7  }
0x10: {  	[smem:$0x3FB3] =	sst s8  }
0x11: {  	[smem:$0x3FB4] =	sst s9;
	s0 =	simm.s32 @!p0 $0x0  }
0x12: {  	s1 =	sld [smem:$0x3F9A];
	s0 =	simm.s32 @p0 $0x1  }
0x13: {  	[smem:$0x3FB5] =	sst s0;
	s0 =	simm.s32 @!p1 $0x0  }
0x14: {  	s2 =	sld [smem:$0x3F99];
	s0 =	simm.s32 @p1 $0x1  }
0x15: {  	[smem:$0x3FB6] =	sst s0;
	s0 =	simm.s32 @!p2 $0x0  }
0x16: {  	s3 =	sld [smem:$0x3FDB];
	s0 =	simm.s32 @p2 $0x1  }
0x17: {  	s4 =	simm.s32 $0x1BF5;
	[smem:$0x3FB8] =	sst s0  }
0x18: {  	s0 =	sld [smem:$0x3F9B];
	_ =	swait.ge [sflag:s4], $0x0  }
0x19: {  	s7 =	sld [smem:$0x3F9C]  }
0x1a: {  	s8 =	sadd.s32 $0xFFFFE003, lr  }
0x1b: {  	s9 =	sadd.s32 $0xFFFFFEF7, lr;
	s5 =	simm.s32 $0xFFFFFFFF;
	p2 =	slt.u32 s8, $0xFFFFF086  }
0x1c: {  	p1 =	slt.u32 s9, $0xF7A;
	s5 =	simm.s32 @!p2 $0x0  }
0x1d: {  	s5 =	simm.s32 @p1 $0x1;
	p0 =	seq.s32 s7, s2  }
0x1e: {  	s7 =	smul.u32 @!p0 $0xF7A, s2;
	p2 =	seq.s32 @!p0 s5, $0x0  }
0x1f: {  	s9 =	smul.u32 $0xF7A, s1;
	s8 =	simm.s32 @!p0 $0x1BF5;
	p2 =	por !p2, p0  }
0x20: {  	[sflag:s8] =	ssyncset.s32 @!p0 $0xFFFFF086;
	s6 =	sadd.s32 @!p0 s3, s7;
	s7 =	simm.s32 @!p0 $0x108  }
0x21: {  	s3 =	sadd.s32 s3, s9;
	s6 =	sadd.s32 @!p0 $0x88, s6;
	s7 =	simm.s32 @p2 $0x1082  }
0x22: {  	[simem:s7], [sflag:s8] =	dma.local @!p0 [hbm:s6], $0xF7A  }
0x23: {  	s9 =	sor.u32 $0xD0000000, s2;
	s6 =	simm.s32 $0x108;
	_ =	swait.ge @!p0 [sflag:s8], $0x0  }
0x24: {  	s3 =	sadd.s32 $0x88, s3;
	s6 =	simm.s32 @!p1 $0x1082;
	[sflag:s4] =	ssyncset.s32 $0xFFFFF086  }
0x25: {  	[simem:s6], [sflag:s4] =	dma.local [hbm:s3], $0xF7A  }
0x26: {  	[smem:$0x3F9C] =	sst s1;
	(tag) =	ssettag s2;
	_ =	strace s9  }
0x27: {  	s1 =	sld [smem:$0x3FAC]  }
0x28: {  	s2 =	sld [smem:$0x3FAD]  }
0x29: {  	s4 =	sld [smem:$0x3FAF]  }
0x2a: {  	p0 =	seq.s32 s5, $0x0;
	s5 =	sld [smem:$0x3FB0]  }
0x2b: {  	s6 =	sld [smem:$0x3FB1]  }
0x2c: {  	s7 =	sld [smem:$0x3FB2]  }
0x2d: {  	s3 =	simm.s32 $0x108;
	s8 =	sld [smem:$0x3FB3]  }
0x2e: {  	s3 =	simm.s32 @!p0 $0x1082;
	s9 =	sld [smem:$0x3FB4]  }
0x2f: {  	lr =	sadd.s32 s0, s3;
	s0 =	sld [smem:$0x3FAB]  }
0x30: {  	s3 =	sld [smem:$0x3FAE]  }
0x31: {  	[smem:$0x3FB7] =	sst s10  }
0x32: {  	s10 =	sld [smem:$0x3FB5];
	_ =	sdelay $0x3  }
0x33: {  	p0 =	seq.s32 s10, $0x1;
	s10 =	sld [smem:$0x3FB7];
	_ =	sdelay $0x3  }
0x34: {  	[smem:$0x3FB7] =	sst s10  }
0x35: {  	s10 =	sld [smem:$0x3FB6];
	_ =	sdelay $0x3  }
0x36: {  	p1 =	seq.s32 s10, $0x1;
	s10 =	sld [smem:$0x3FB7];
	_ =	sdelay $0x3  }
0x37: {  	[smem:$0x3FB7] =	sst s10  }
0x38: {  	s10 =	sld [smem:$0x3FB8]  }
0x39: {  	_ = 	snop;
	(pc) =	sbr.ind lr, $3  }
0x3a: {  	_ = 	snop  }
0x3b: {  	_ = 	snop  }
0x3c: {  	p2 =	seq.s32 s10, $0x1;
	s10 =	sld [smem:$0x3FB7]  }
0x3d: {  	_ =	shalt  }
0x3e: {  	_ =	shalt  }
0x3f: {  	_ =	shalt  }
0x40: {  	_ =	shalt  }
0x41: {  	_ =	shalt  }
0x42: {  	_ =	shalt  }
0x43: {  	_ =	shalt  }
0x44: {  	_ =	shalt  }
0x45: {  	_ =	shalt  }
0x46: {  	_ =	shalt  }
0x47: {  	_ =	shalt  }
0x48: {  	_ =	shalt  }
0x49: {  	_ =	shalt  }
0x4a: {  	_ =	shalt  }
0x4b: {  	_ =	shalt  }
0x4c: {  	_ =	shalt  }
0x4d: {  	_ =	shalt  }
0x4e: {  	_ =	shalt  }
0x4f: {  	_ =	shalt  }
0x50: {  	_ =	shalt  }
0x51: {  	_ =	shalt  }
0x52: {  	_ =	shalt  }
0x53: {  	_ =	shalt  }
0x54: {  	_ =	shalt  }
0x55: {  	_ =	shalt  }
0x56: {  	_ =	shalt  }
0x57: {  	_ =	shalt  }
0x58: {  	_ =	shalt  }
0x59: {  	_ =	shalt  }
0x5a: {  	_ =	shalt  }
0x5b: {  	_ =	shalt  }
0x5c: {  	_ =	shalt  }
0x5d: {  	_ =	shalt  }
0x5e: {  	_ =	shalt  }
0x5f: {  	_ =	shalt  }
0x60: {  	_ =	shalt  }
0x61: {  	_ =	shalt  }
0x62: {  	_ =	shalt  }
0x63: {  	_ =	shalt  }
0x64: {  	_ =	shalt  }
0x65: {  	_ =	shalt  }
0x66: {  	_ =	shalt  }
0x67: {  	_ =	shalt  }
0x68: {  	_ =	shalt  }
0x69: {  	_ =	shalt  }
0x6a: {  	_ =	shalt  }
0x6b: {  	_ =	shalt  }
0x6c: {  	_ =	shalt  }
0x6d: {  	_ =	shalt  }
0x6e: {  	_ =	shalt  }
0x6f: {  	_ =	shalt  }
0x70: {  	_ =	shalt  }
0x71: {  	_ =	shalt  }
0x72: {  	_ =	shalt  }
0x73: {  	_ =	shalt  }
0x74: {  	_ =	shalt  }
0x75: {  	_ =	shalt  }
0x76: {  	_ =	shalt  }
0x77: {  	_ =	shalt  }
0x78: {  	_ =	shalt  }
0x79: {  	_ =	shalt  }
0x7a: {  	_ =	shalt  }
0x7b: {  	_ =	shalt  }
0x7c: {  	_ =	shalt  }
0x7d: {  	_ =	shalt  }
0x7e: {  	_ =	shalt  }
0x7f: {  	_ =	shalt  }
0x80: {  	_ =	shalt  }
0x81: {  	_ =	shalt  }
0x82: {  	_ =	shalt  }
0x83: {  	_ =	shalt  }
0x84: {  	_ =	shalt  }
0x85: {  	_ =	shalt  }
0x86: {  	_ =	shalt  }
0x87: {  	_ =	shalt  }
.Lfunc_end0:
.L_simem_size_0:
called_computation_lowered:
.L_overlay_start_0:
0x88: {  	s2 =	sld [smem:$0x3FD9]  }
0x89: {  	s3 =	sld [smem:$0x3FFE];
	_ =	sdelay $0x1  }
0x8a: {  	s1 =	srdreg.scid  }
0x8b: {  	s0 =	sand.u32 $0x1, s1  }
0x8c: {  	s14 =	sshll.u32 s0, $0xA;
	s2 =	sadd.s32 s3, s2  }
0x8d: {  	s2 =	sadd.s32 s2, s14  }
0x8e: {  	[smem:$0x3FC3] =	sst s2  }
0x8f: {  	_ = 	snop  }
0x90: {  	s2 =	sld [smem:$0x3FD0]  }
0x91: {  	s15 =	sld [smem:$0x3FC9]  }
0x92: {  	s4 =	sld [smem:$0x3FC6]  }
0x93: {  	s6 =	simm.s32 $0xA;
	s7 =	simm.s32 $0x10;
	s5 =	sld [smem:$0x3FC5]  }
0x94: {  	[smem:s7], [sflag:s6] =	dma.local [hbm:s2], $0x1  }
0x95: {  	_ =	swait.eq [sflag:s6], $0x1  }
0x96: {  	s16 =	sld [smem:$0x10]  }
0x97: {  	s17 =	sld [smem:$0x11];
	[sflag:s6] =	ssyncset.done $0x0  }
0x98: {  	s8 =	sld [smem:$0x12];
	[sflag:s6] =	ssyncadd.s32 $0xFFFFFFFF  }
0x99: {  	s18 =	sld [smem:$0x13];
	(tm) =	ssettm $0x1  }
0x9a: {  	s9 =	sld [smem:$0x3FFB];
	_ =	sdelay $0x3  }
0x9b: {  	_ =	strace s9  }
0x9c: {  	s9 =	sld [smem:$0x3FFC];
	_ =	sdelay $0x3  }
0x9d: {  	_ =	strace s9  }
0x9e: {  	s9 =	sld [smem:$0x3FFD];
	_ =	sdelay $0x3  }
0x9f: {  	_ =	strace s9  }
0xa0: {  	_ =	strace $0x8FFFFFFF  }
0xa1: {  	s19 =	sld [smem:$0x3FDB];
	_ =	sdelay $0x1  }
0xa2: {  	s10 =	simm.s32 $_scs_section_size  }
0xa3: {  	s11 =	simm.s32 $_size__tile_overlayer_lowered;
	s12 =	simm.s32 $_tile_overlayer_lowered  }
0xa4: {  	s22 =	simm.s32 $0x1BFF;
	s21 =	sshll.u32 s12, $0x1;
	s9 =	sadd.s32 s10, s19  }
0xa5: {  	s13 =	simm.s32 $0x0;
	s20 =	sshll.u32 s11, $0x1;
	s11 =	sadd.s32 s21, s9  }
0xa6: {  	[timem:s13], [sflag:s22] =	dma.local [hbm:s11], s20  }
0xa7: {  	_ =	swait.ge [sflag:s22], s20  }
0xa8: {  	s10 =	ssub.s32 $0x0, s20;
	[sflag:s22] =	ssyncset.done $0x0  }
0xa9: {  	[sflag:s22] =	ssyncadd.s32 s10;
	_ =	sdelay $0x1  }
0xaa: {  	s23 =	simm.s32 $0x1B8B  }
0xab: {  	_ =	swait.ge [sflag:s23], $0x1  }
0xac: {  	[sflag:s23] =	ssyncset.done $0x0  }
0xad: {  	s25 =	simm.s32 $0x1B8E;
	s24 =	sld [smem:$0x3FFE];
	[sflag:s23] =	ssyncadd.s32 $0xFFFFFFFF  }
0xae: {  	s26 =	simm.s32 $execute0_lowered;
	[smem:$0x3FD2] =	sst s25  }
0xaf: {  	s11 =	sshll.u32 s26, $0x1;
	_ =	strace $0x80000046;
	[dreg:$0x1] =	wrdreg $0xFFFFFFFF  }
0xb0: {  	s28 =	simm.s32 $_size_execute0_lowered;
	s9 =	sadd.s32 s9, s11;
	[dreg:$0x0] =	wrdreg $0x0  }
0xb1: {  	s11 =	sshll.u32 s28, $0x1;
	[dreg:$0x2] =	wrdreg s9  }
0xb2: {  	[dreg:$0x3] =	wrdreg s11  }
0xb3: {  	[dreg:$0x4] =	wrdreg $0xC0  }
0xb4: {  	_ =	task [dreg:s13], $0x5FFFF  }
0xb5: {  	[dreg:$0x1] =	wrdreg $0xFFFFFFFF  }
0xb6: {  	[dreg:$0x0] =	wrdreg $0x60  }
0xb7: {  	[dreg:$0x2] =	wrdreg s15  }
0xb8: {  	[dreg:$0x3] =	wrdreg s24  }
0xb9: {  	[dreg:$0x4] =	wrdreg s4  }
0xba: {  	[dreg:$0x5] =	wrdreg s5  }
0xbb: {  	[dreg:$0x6] =	wrdreg s16  }
0xbc: {  	[dreg:$0x7] =	wrdreg s17  }
0xbd: {  	[dreg:$0x8] =	wrdreg s8  }
0xbe: {  	[dreg:$0x9] =	wrdreg s18  }
0xbf: {  	[dreg:$0xa] =	wrdreg $0x9  }
0xc0: {  	_ =	task.clear_ibuf [dreg:s13], $0xBFFFF;
	_ =	strace $0x90000046  }
0xc1: {  	s29 =	simm.s32 $0x9;
	_ =	strace $0x80000048  }
0xc2: {  	_ =	swait.ge [sflag:s29], $0x1  }
0xc3: {  	[sflag:s29] =	ssyncadd.s32 $0xFFFFFFFF  }
0xc4: {  	_ =	strace $0x90000048  }
0xc5: {  	_ =	sfence  }
0xc6: {  	s30 =	sld [smem:$0x0];
	_ =	sdelay $0x2  }
0xc7: {  	s31 =	sshll.u32 s1, $0xD;
	s1 =	sshrl.u32 s1, $0x2  }
0xc8: {  	s3 =	sand.u32 $0x4000, s31;
	s1 =	sadd.s32 s1, s30  }
0xc9: {  	s0 =	sor.u32 s3, s0;
	s1 =	sshll.u32 s1, $0x11  }
0xca: {  	s0 =	sor.u32 s1, s0  }
0xcb: {  	s0 =	sadd.s32 $0x8F2B, s0  }
0xcc: {  	[sflag:s0] =	ssyncadd.remote.s32 $0x1  }
0xcd: {  	_ =	sfence.sel $0xFFFF  }
0xce: {  	[dreg:$0x0] =	wrdreg $0xFFFFFFFF;
	(pc) =	sbr.abs _section_cstart, $3  }
0xcf: {  	[dreg:$0x1] =	wrdreg $0xFFFFFFFF  }
0xd0: {  	_ =	task.clear_ibuf [dreg:s13], $0x2FFFF;
	_ =	strace $0x9FFFFFFF  }
0xd1: {  	(tm) =	ssettm $0x7FFFFFFF  }
tec
execute0_lowered:
.L_overlay_start_1:
0x0: {  	(tag) =	ssettag $0x1  }
0x1: {  	s1 =	rddreg [dreg:$0x0]  }
0x2: {  	s0 =	rddreg [dreg:$0x1]  }
0x3: {  	s4 =	rddreg [dreg:$0x2]  }
0x4: {  	s3 =	rddreg [dreg:$0x3]  }
0x5: {  	s5 =	rddreg [dreg:$0x4]  }
0x6: {  	s6 =	rddreg [dreg:$0x5]  }
0x7: {  	s7 =	rddreg [dreg:$0x6]  }
0x8: {  	s8 =	rddreg [dreg:$0x7];
	s9 =	srdreg.scid  }
0x9: {  	s10 =	stileid.u32;
	s2 =	simm.s32 $0x0;
	s31 =	simm.s32 $0x3  }
0xa: {  	s30 =	simm.s32 $0x200;
	s29 =	simm.s32 $0x280;
	s28 =	simm.s32 $0x300  }
0xb: {  	s9 =	sand.u32 $0x1, s9;
	s10 =	sshll.u32 s10, $0x1;
	[smem:$0x7FF] =	sst s2  }
0xc: {  	p0 =	por $0x0, $0x0;
	s10 =	sor.u32 s9, s10;
	_ =	strace $0x80000047  }
0xd: {  	s11 =	sshll.u32 s10, $0x8;
	s12 =	sshll.u32 s10, $0x9;
	s26 =	sshll.u32 s10, $0xC  }
0xe: {  	s23 =	sshll.u32 s10, $0xD;
	s1 =	sadd.s32 s1, s11;
	s17 =	sadd.s32 s5, s26  }
0xf: {  	s13 =	sor.u32 $0x80, s12;
	s14 =	sor.u32 $0x100, s12;
	[dreg:$0x9] =	wrdreg s1  }
0x10: {  	s12 =	sor.u32 $0x180, s12;
	s20 =	sadd.s32 s6, s26;
	[dreg:$0xa] =	wrdreg s17  }
0x11: {  	s24 =	sadd.s32 s7, s23;
	s26 =	sadd.s32 $0xF42E00, s0;
	[dreg:$0xe] =	wrdreg s20  }
0x12: {  	s18 =	sshll.u32 s13, $0x3;
	[dreg:$0x12] =	wrdreg s24;
	s24 =	simm.s32 $0x100  }
0x13: {  	s16 =	sshll.u32 s14, $0x3;
	s15 =	sadd.s32 s5, s18;
	[dreg:$0x1a] =	wrdreg s24  }
0x14: {  	s17 =	sshll.u32 s12, $0x3;
	s19 =	sadd.s32 s5, s16;
	[dreg:$0xb] =	wrdreg s15  }
0x15: {  	s25 =	sshll.u32 s13, $0x4;
	s5 =	sadd.s32 s5, s17;
	[dreg:$0xc] =	wrdreg s19  }
0x16: {  	s11 =	sshll.u32 s14, $0x4;
	s1 =	sadd.s32 s6, s18;
	[dreg:$0xd] =	wrdreg s5  }
0x17: {  	s14 =	sshll.u32 s12, $0x4;
	s21 =	sadd.s32 s6, s16;
	[dreg:$0xf] =	wrdreg s1  }
0x18: {  	s12 =	simm.s32 $0x780;
	s22 =	sadd.s32 s6, s17;
	[dreg:$0x10] =	wrdreg s21  }
0x19: {  	s10 =	sadd.s32 s7, s25;
	s13 =	sadd.s32 s7, s11;
	[dreg:$0x11] =	wrdreg s22  }
0x1a: {  	s16 =	sadd.s32 s8, s23;
	s17 =	sadd.s32 s8, s25;
	[dreg:$0x13] =	wrdreg s10  }
0x1b: {  	s18 =	ssub.s32 $0x2, s9;
	s25 =	simm.s32 $0x180;
	[dreg:$0x14] =	wrdreg s13  }
0x1c: {  	s6 =	simm.s32 $0x1;
	s24 =	simm.s32 $0x400;
	[dreg:$0x16] =	wrdreg s16  }
0x1d: {  	s9 =	simm.s32 $0x14800;
	s15 =	sadd.s32 s7, s14;
	[dreg:$0x17] =	wrdreg s17  }
0x1e: {  	s19 =	sadd.s32 s8, s11;
	s20 =	sshrl.u32 s18, $0x1;
	s22 =	sadd.s32 s8, s14  }
0x1f: {  	s21 =	sadd.s32 $0x16E4000, s0;
	s7 =	simm.s32 $0x80;
	s17 =	simm.s32 $0x4800  }
0x20: {  	[dreg:$0x1b] =	wrdreg s25;
	s5 =	simm.s32 $0x2;
	s23 =	ssub.s32 s18, s20  }
0x21: {  	s25 =	simm.s32 $0x380;
	s11 =	simm.s32 $0x8800;
	s0 =	smax.u32 s23, $0x1  }
0x22: {  	s10 =	simm.s32 $0xC800;
	s1 =	rddreg [dreg:$0x9];
	p1 =	sne.s32 s0, $0x1  }
.Ltmp0:
0x23: {  	s8 =	simm.s32 $0x10800;
	[dreg:$0x15] =	wrdreg s15;
	(pc) =	sbr.rel @!p1 .LBB2_3-.Ltmp0, $4  }
0x24: {  	s16 =	simm.s32 $0x600;
	s14 =	simm.s32 $0x680;
	[dreg:$0x18] =	wrdreg s19  }
0x25: {  	s13 =	simm.s32 $0x700;
	[dreg:$0x19] =	wrdreg s22;
	s22 =	simm.s32 $0x800  }
0x26: {  	s18 =	simm.s32 $0x2800;
	s15 =	simm.s32 $0x6800;
	s20 =	simm.s32 $0x500  }
0x27: {  	s19 =	simm.s32 $0x580;
	s23 =	simm.s32 $0x480;
	s0 =	sadd.s32 $0xFFFFFFFF, s0  }
0x28: {  	[tilespmem:s2], [sflag:$0x3] =	stream.linear.gather [hbm4b:s1+s2], $0x800, $0x38;
	[tilespmem:$0x18800] =	vst v63  }
0x29: {  	_ =	swait.ge [sflag:s31], $0x800  }
0x2a: {  	[sflag:s31] =	ssyncset.done $0x0  }
0x2b: {  	[sflag:s31] =	ssyncadd.s32 $0xFFFFF800  }
0x2c: {  	[tilespmem:s22], [sflag:$0x1] =	stream.indirect.gather [hbm4b:s26+s7], $0x40, s2, s7, $0xb8;
	[tilespmem:$0x18800] =	vst v63  }
0x2d: {  	[dreg:$0x1c] =	wrdreg s0  }
0x2e: {  	[tilespmem:s18], [sflag:$0x1] =	stream.indirect.gather [hbm4b:s26+s7], $0x40, s7, s7, $0xb8;
	[tilespmem:$0x18800] =	vst v63  }
0x2f: {  	s1 =	rddreg [dreg:$0x1a]  }
0x30: {  	[tilespmem:s17], [sflag:$0x1] =	stream.indirect.gather [hbm4b:s26+s7], $0x40, s1, s7, $0xb8;
	[tilespmem:$0x18800] =	vst v63  }
0x31: {  	s0 =	rddreg [dreg:$0x1b]  }
0x32: {  	[tilespmem:s15], [sflag:$0x1] =	stream.indirect.gather [hbm4b:s26+s7], $0x40, s0, s7, $0xb8;
	[tilespmem:$0x18800] =	vst v63  }
0x33: {  	_ =	swait.ge [sflag:s6], $0x2000  }
0x34: {  	[sflag:s6] =	ssyncset.done $0x0  }
0x35: {  	s1 =	rddreg [dreg:$0xa];
	[sflag:s6] =	ssyncadd.s32 $0xFFFFE000  }
0x36: {  	[hbm4b:s1+s2] =	stream.linear.scatter [tilespmem:s22], [sflag:$0x2], $0x2000, $0x38;
	[tilespmem:$0x18800] =	vst v63  }
0x37: {  	_ =	swait.ge [sflag:s5], $0x2000  }
0x38: {  	[sflag:s5] =	ssyncset.done $0x0  }
0x39: {  	[sflag:s5] =	ssyncadd.s32 $0xFFFFE000  }
0x3a: {  	[tilespmem:s22], [sflag:$0x1] =	stream.indirect.gather [hbm4b:s21+s7], $0x40, s30, s7, $0xb8;
	[tilespmem:$0x18800] =	vst v63  }
0x3b: {  	_ =	swait.ge [sflag:s6], $0x2000  }
0x3c: {  	[sflag:s6] =	ssyncset.done $0x0  }
0x3d: {  	s1 =	rddreg [dreg:$0xb];
	[sflag:s6] =	ssyncadd.s32 $0xFFFFE000  }
0x3e: {  	[hbm4b:s1+s2] =	stream.linear.scatter [tilespmem:s18], [sflag:$0x2], $0x2000, $0x38;
	[tilespmem:$0x18800] =	vst v63  }
0x3f: {  	_ =	swait.ge [sflag:s5], $0x2000  }
0x40: {  	[sflag:s5] =	ssyncset.done $0x0  }
0x41: {  	[sflag:s5] =	ssyncadd.s32 $0xFFFFE000  }
0x42: {  	[tilespmem:s18], [sflag:$0x1] =	stream.indirect.gather [hbm4b:s21+s7], $0x40, s29, s7, $0xb8;
	[tilespmem:$0x18800] =	vst v63  }
0x43: {  	_ =	swait.ge [sflag:s6], $0x2000  }
0x44: {  	[sflag:s6] =	ssyncset.done $0x0  }
0x45: {  	s1 =	rddreg [dreg:$0xc];
	[sflag:s6] =	ssyncadd.s32 $0xFFFFE000  }
0x46: {  	[hbm4b:s1+s2] =	stream.linear.scatter [tilespmem:s17], [sflag:$0x2], $0x2000, $0x38;
	[tilespmem:$0x18800] =	vst v63  }
0x47: {  	_ =	swait.ge [sflag:s5], $0x2000  }
0x48: {  	[sflag:s5] =	ssyncset.done $0x0  }
0x49: {  	[sflag:s5] =	ssyncadd.s32 $0xFFFFE000  }
0x4a: {  	[tilespmem:s17], [sflag:$0x1] =	stream.indirect.gather [hbm4b:s21+s7], $0x40, s28, s7, $0xb8;
	[tilespmem:$0x18800] =	vst v63  }
0x4b: {  	_ =	swait.ge [sflag:s6], $0x2000  }
0x4c: {  	[sflag:s6] =	ssyncset.done $0x0  }
0x4d: {  	s1 =	rddreg [dreg:$0xd];
	[sflag:s6] =	ssyncadd.s32 $0xFFFFE000  }
0x4e: {  	[hbm4b:s1+s2] =	stream.linear.scatter [tilespmem:s15], [sflag:$0x2], $0x2000, $0x38;
	[tilespmem:$0x18800] =	vst v63  }
0x4f: {  	_ =	swait.ge [sflag:s5], $0x2000  }
0x50: {  	[sflag:s5] =	ssyncset.done $0x0  }
0x51: {  	[sflag:s5] =	ssyncadd.s32 $0xFFFFE000  }
0x52: {  	[tilespmem:s15], [sflag:$0x1] =	stream.indirect.gather [hbm4b:s21+s7], $0x40, s25, s7, $0xb8;
	[tilespmem:$0x18800] =	vst v63  }
0x53: {  	_ =	swait.ge [sflag:s6], $0x2000  }
0x54: {  	[sflag:s6] =	ssyncset.done $0x0  }
0x55: {  	s1 =	rddreg [dreg:$0xe];
	[sflag:s6] =	ssyncadd.s32 $0xFFFFE000  }
0x56: {  	[hbm4b:s1+s2] =	stream.linear.scatter [tilespmem:s22], [sflag:$0x2], $0x2000, $0x38;
	[tilespmem:$0x18800] =	vst v63  }
0x57: {  	_ =	swait.ge [sflag:s5], $0x2000  }
0x58: {  	[sflag:s5] =	ssyncset.done $0x0  }
0x59: {  	[sflag:s5] =	ssyncadd.s32 $0xFFFFE000  }
0x5a: {  	[tilespmem:s11], [sflag:$0x1] =	stream.indirect.gather [hbm4b:s4+s7], $0x80, s24, s7, $0xb8;
	[tilespmem:$0x18800] =	vst v63  }
0x5b: {  	_ =	swait.ge [sflag:s6], $0x2000  }
0x5c: {  	[sflag:s6] =	ssyncset.done $0x0  }
0x5d: {  	s1 =	rddreg [dreg:$0xf];
	[sflag:s6] =	ssyncadd.s32 $0xFFFFE000  }
0x5e: {  	[hbm4b:s1+s2] =	stream.linear.scatter [tilespmem:s18], [sflag:$0x2], $0x2000, $0x38;
	[tilespmem:$0x18800] =	vst v63  }
0x5f: {  	_ =	swait.ge [sflag:s5], $0x2000  }
0x60: {  	[sflag:s5] =	ssyncset.done $0x0  }
0x61: {  	[sflag:s5] =	ssyncadd.s32 $0xFFFFE000  }
0x62: {  	[tilespmem:s10], [sflag:$0x1] =	stream.indirect.gather [hbm4b:s4+s7], $0x80, s23, s7, $0xb8;
	[tilespmem:$0x18800] =	vst v63  }
0x63: {  	_ =	swait.ge [sflag:s6], $0x2000  }
0x64: {  	[sflag:s6] =	ssyncset.done $0x0  }
0x65: {  	s1 =	rddreg [dreg:$0x10];
	[sflag:s6] =	ssyncadd.s32 $0xFFFFE000  }
0x66: {  	[hbm4b:s1+s2] =	stream.linear.scatter [tilespmem:s17], [sflag:$0x2], $0x2000, $0x38;
	[tilespmem:$0x18800] =	vst v63  }
0x67: {  	_ =	swait.ge [sflag:s5], $0x2000  }
0x68: {  	[sflag:s5] =	ssyncset.done $0x0  }
0x69: {  	[sflag:s5] =	ssyncadd.s32 $0xFFFFE000  }
0x6a: {  	[tilespmem:s8], [sflag:$0x1] =	stream.indirect.gather [hbm4b:s4+s7], $0x80, s20, s7, $0xb8;
	[tilespmem:$0x18800] =	vst v63  }
0x6b: {  	_ =	swait.ge [sflag:s6], $0x2000  }
0x6c: {  	[sflag:s6] =	ssyncset.done $0x0  }
0x6d: {  	s1 =	rddreg [dreg:$0x11];
	[sflag:s6] =	ssyncadd.s32 $0xFFFFE000  }
0x6e: {  	[hbm4b:s1+s2] =	stream.linear.scatter [tilespmem:s15], [sflag:$0x2], $0x2000, $0x38;
	[tilespmem:$0x18800] =	vst v63  }
0x6f: {  	_ =	swait.ge [sflag:s5], $0x2000  }
0x70: {  	[sflag:s5] =	ssyncset.done $0x0  }
0x71: {  	[sflag:s5] =	ssyncadd.s32 $0xFFFFE000  }
0x72: {  	[tilespmem:s9], [sflag:$0x1] =	stream.indirect.gather [hbm4b:s4+s7], $0x80, s19, s7, $0xb8;
	[tilespmem:$0x18800] =	vst v63  }
0x73: {  	_ =	swait.ge [sflag:s6], $0x4000  }
0x74: {  	[sflag:s6] =	ssyncset.done $0x0  }
0x75: {  	s1 =	rddreg [dreg:$0x12];
	[sflag:s6] =	ssyncadd.s32 $0xFFFFC000  }
0x76: {  	[hbm4b:s1+s2] =	stream.linear.scatter [tilespmem:s11], [sflag:$0x2], $0x4000, $0x38;
	[tilespmem:$0x18800] =	vst v63  }
0x77: {  	_ =	swait.ge [sflag:s5], $0x4000  }
0x78: {  	[sflag:s5] =	ssyncset.done $0x0  }
0x79: {  	[sflag:s5] =	ssyncadd.s32 $0xFFFFC000  }
0x7a: {  	[tilespmem:s11], [sflag:$0x1] =	stream.indirect.gather [hbm4b:s3+s7], $0x80, s16, s7, $0xb8;
	[tilespmem:$0x18800] =	vst v63  }
0x7b: {  	_ =	swait.ge [sflag:s6], $0x4000  }
0x7c: {  	[sflag:s6] =	ssyncset.done $0x0  }
0x7d: {  	s1 =	rddreg [dreg:$0x13];
	[sflag:s6] =	ssyncadd.s32 $0xFFFFC000  }
0x7e: {  	[hbm4b:s1+s2] =	stream.linear.scatter [tilespmem:s10], [sflag:$0x2], $0x4000, $0x38;
	[tilespmem:$0x18800] =	vst v63  }
0x7f: {  	_ =	swait.ge [sflag:s5], $0x4000  }
0x80: {  	[sflag:s5] =	ssyncset.done $0x0  }
0x81: {  	[sflag:s5] =	ssyncadd.s32 $0xFFFFC000  }
0x82: {  	[tilespmem:s10], [sflag:$0x1] =	stream.indirect.gather [hbm4b:s3+s7], $0x80, s14, s7, $0xb8;
	[tilespmem:$0x18800] =	vst v63  }
0x83: {  	_ =	swait.ge [sflag:s6], $0x4000  }
0x84: {  	[sflag:s6] =	ssyncset.done $0x0  }
0x85: {  	s1 =	rddreg [dreg:$0x14];
	[sflag:s6] =	ssyncadd.s32 $0xFFFFC000  }
0x86: {  	[hbm4b:s1+s2] =	stream.linear.scatter [tilespmem:s8], [sflag:$0x2], $0x4000, $0x38;
	[tilespmem:$0x18800] =	vst v63  }
0x87: {  	_ =	swait.ge [sflag:s5], $0x4000  }
0x88: {  	[sflag:s5] =	ssyncset.done $0x0  }
0x89: {  	[sflag:s5] =	ssyncadd.s32 $0xFFFFC000  }
0x8a: {  	[tilespmem:s8], [sflag:$0x1] =	stream.indirect.gather [hbm4b:s3+s7], $0x80, s13, s7, $0xb8;
	[tilespmem:$0x18800] =	vst v63  }
0x8b: {  	_ =	swait.ge [sflag:s6], $0x4000  }
0x8c: {  	[sflag:s6] =	ssyncset.done $0x0  }
0x8d: {  	s1 =	rddreg [dreg:$0x15];
	[sflag:s6] =	ssyncadd.s32 $0xFFFFC000  }
0x8e: {  	[hbm4b:s1+s2] =	stream.linear.scatter [tilespmem:s9], [sflag:$0x2], $0x4000, $0x38;
	[tilespmem:$0x18800] =	vst v63  }
0x8f: {  	_ =	swait.ge [sflag:s5], $0x4000  }
0x90: {  	[sflag:s5] =	ssyncset.done $0x0  }
0x91: {  	[sflag:s5] =	ssyncadd.s32 $0xFFFFC000  }
0x92: {  	[tilespmem:s9], [sflag:$0x1] =	stream.indirect.gather [hbm4b:s3+s7], $0x80, s12, s7, $0xb8;
	[tilespmem:$0x18800] =	vst v63  }
0x93: {  	_ =	swait.ge [sflag:s6], $0x4000  }
0x94: {  	[sflag:s6] =	ssyncset.done $0x0  }
0x95: {  	s1 =	rddreg [dreg:$0x16];
	[sflag:s6] =	ssyncadd.s32 $0xFFFFC000  }
0x96: {  	[hbm4b:s1+s2] =	stream.linear.scatter [tilespmem:s11], [sflag:$0x2], $0x4000, $0x38;
	[tilespmem:$0x18800] =	vst v63  }
0x97: {  	_ =	swait.ge [sflag:s6], $0x4000  }
0x98: {  	[sflag:s6] =	ssyncset.done $0x0  }
0x99: {  	s1 =	rddreg [dreg:$0x17];
	[sflag:s6] =	ssyncadd.s32 $0xFFFFC000  }
0x9a: {  	[hbm4b:s1+s2] =	stream.linear.scatter [tilespmem:s10], [sflag:$0x2], $0x4000, $0x38;
	[tilespmem:$0x18800] =	vst v63  }
0x9b: {  	_ =	swait.ge [sflag:s6], $0x4000  }
0x9c: {  	[sflag:s6] =	ssyncset.done $0x0  }
0x9d: {  	s1 =	rddreg [dreg:$0x18];
	[sflag:s6] =	ssyncadd.s32 $0xFFFFC000  }
0x9e: {  	[hbm4b:s1+s2] =	stream.linear.scatter [tilespmem:s8], [sflag:$0x2], $0x4000, $0x38;
	[tilespmem:$0x18800] =	vst v63  }
0x9f: {  	_ =	swait.ge [sflag:s6], $0x4000  }
0xa0: {  	[sflag:s6] =	ssyncset.done $0x0  }
0xa1: {  	s1 =	rddreg [dreg:$0x19];
	[sflag:s6] =	ssyncadd.s32 $0xFFFFC000  }
0xa2: {  	[hbm4b:s1+s2] =	stream.linear.scatter [tilespmem:s9], [sflag:$0x2], $0x4000, $0x38;
	[tilespmem:$0x18800] =	vst v63  }
0xa3: {  	_ =	swait.ge [sflag:s5], $0x4000  }
0xa4: {  	[sflag:s5] =	ssyncset.done $0x0  }
0xa5: {  	[sflag:s5] =	ssyncadd.s32 $0xFFFFC000  }
0xa6: {  	_ =	swait.ge [sflag:s5], $0x4000  }
0xa7: {  	[sflag:s5] =	ssyncset.done $0x0  }
0xa8: {  	[sflag:s5] =	ssyncadd.s32 $0xFFFFC000  }
0xa9: {  	_ =	swait.ge [sflag:s5], $0x4000  }
0xaa: {  	s1 =	rddreg [dreg:$0x1c]  }
0xab: {  	p1 =	sne.s32 s1, $0x1  }
.Ltmp1:
0xac: {  	_ = 	snop;
	(pc) =	sbr.rel @!p1 .LBB2_3-.Ltmp1, $4  }
0xad: {  	[sflag:s5] =	ssyncset.done $0x0  }
0xae: {  	[sflag:s5] =	ssyncadd.s32 $0xFFFFC000  }
0xaf: {  	p0 =	por $0x1, $0x1;
	_ =	swait.ge [sflag:s5], $0x4000  }
0xb0: {  	s0 =	sadd.s32 $0xFFFFFFFF, s1;
	s1 =	rddreg [dreg:$0x9];
	[sflag:s5] =	ssyncset.done $0x0  }
.LBB2_2:
0xb1: {  	[sflag:s5] =	ssyncadd.s32 $0xFFFFC000  }
0xb2: {  	[tilespmem:s2], [sflag:$0x3] =	stream.linear.gather [hbm4b:s1+s2], $0x800, $0x38;
	[tilespmem:$0x18800] =	vst v63  }
0xb3: {  	_ =	swait.ge [sflag:s31], $0x800  }
0xb4: {  	[sflag:s31] =	ssyncset.done $0x0  }
0xb5: {  	[sflag:s31] =	ssyncadd.s32 $0xFFFFF800  }
0xb6: {  	[tilespmem:s22], [sflag:$0x1] =	stream.indirect.gather [hbm4b:s26+s7], $0x40, s2, s7, $0xb8;
	[tilespmem:$0x18800] =	vst v63  }
0xb7: {  	_ = 	snop  }
0xb8: {  	[tilespmem:s18], [sflag:$0x1] =	stream.indirect.gather [hbm4b:s26+s7], $0x40, s7, s7, $0xb8;
	[tilespmem:$0x18800] =	vst v63  }
0xb9: {  	s1 =	rddreg [dreg:$0x1a]  }
0xba: {  	[tilespmem:s17], [sflag:$0x1] =	stream.indirect.gather [hbm4b:s26+s7], $0x40, s1, s7, $0xb8;
	[tilespmem:$0x18800] =	vst v63  }
0xbb: {  	s12 =	rddreg [dreg:$0x1b]  }
0xbc: {  	[tilespmem:s15], [sflag:$0x1] =	stream.indirect.gather [hbm4b:s26+s7], $0x40, s12, s7, $0xb8;
	[tilespmem:$0x18800] =	vst v63  }
0xbd: {  	_ =	swait.ge [sflag:s6], $0x2000  }
0xbe: {  	[sflag:s6] =	ssyncset.done $0x0  }
0xbf: {  	s1 =	rddreg [dreg:$0xa];
	[sflag:s6] =	ssyncadd.s32 $0xFFFFE000  }
0xc0: {  	[hbm4b:s1+s2] =	stream.linear.scatter [tilespmem:s22], [sflag:$0x2], $0x2000, $0x38;
	[tilespmem:$0x18800] =	vst v63  }
0xc1: {  	_ =	swait.ge [sflag:s5], $0x2000  }
0xc2: {  	[sflag:s5] =	ssyncset.done $0x0  }
0xc3: {  	[sflag:s5] =	ssyncadd.s32 $0xFFFFE000  }
0xc4: {  	[tilespmem:s22], [sflag:$0x1] =	stream.indirect.gather [hbm4b:s21+s7], $0x40, s30, s7, $0xb8;
	[tilespmem:$0x18800] =	vst v63  }
0xc5: {  	_ =	swait.ge [sflag:s6], $0x2000  }
0xc6: {  	[sflag:s6] =	ssyncset.done $0x0  }
0xc7: {  	s1 =	rddreg [dreg:$0xb];
	[sflag:s6] =	ssyncadd.s32 $0xFFFFE000  }
0xc8: {  	[hbm4b:s1+s2] =	stream.linear.scatter [tilespmem:s18], [sflag:$0x2], $0x2000, $0x38;
	[tilespmem:$0x18800] =	vst v63  }
0xc9: {  	_ =	swait.ge [sflag:s5], $0x2000  }
0xca: {  	[sflag:s5] =	ssyncset.done $0x0  }
0xcb: {  	[sflag:s5] =	ssyncadd.s32 $0xFFFFE000  }
0xcc: {  	[tilespmem:s18], [sflag:$0x1] =	stream.indirect.gather [hbm4b:s21+s7], $0x40, s29, s7, $0xb8;
	[tilespmem:$0x18800] =	vst v63  }
0xcd: {  	_ =	swait.ge [sflag:s6], $0x2000  }
0xce: {  	[sflag:s6] =	ssyncset.done $0x0  }
0xcf: {  	s1 =	rddreg [dreg:$0xc];
	[sflag:s6] =	ssyncadd.s32 $0xFFFFE000  }
0xd0: {  	[hbm4b:s1+s2] =	stream.linear.scatter [tilespmem:s17], [sflag:$0x2], $0x2000, $0x38;
	[tilespmem:$0x18800] =	vst v63  }
0xd1: {  	_ =	swait.ge [sflag:s5], $0x2000  }
0xd2: {  	[sflag:s5] =	ssyncset.done $0x0  }
0xd3: {  	[sflag:s5] =	ssyncadd.s32 $0xFFFFE000  }
0xd4: {  	[tilespmem:s17], [sflag:$0x1] =	stream.indirect.gather [hbm4b:s21+s7], $0x40, s28, s7, $0xb8;
	[tilespmem:$0x18800] =	vst v63  }
0xd5: {  	_ =	swait.ge [sflag:s6], $0x2000  }
0xd6: {  	[sflag:s6] =	ssyncset.done $0x0  }
0xd7: {  	s1 =	rddreg [dreg:$0xd];
	[sflag:s6] =	ssyncadd.s32 $0xFFFFE000  }
0xd8: {  	[hbm4b:s1+s2] =	stream.linear.scatter [tilespmem:s15], [sflag:$0x2], $0x2000, $0x38;
	[tilespmem:$0x18800] =	vst v63  }
0xd9: {  	_ =	swait.ge [sflag:s5], $0x2000  }
0xda: {  	[sflag:s5] =	ssyncset.done $0x0  }
0xdb: {  	[sflag:s5] =	ssyncadd.s32 $0xFFFFE000  }
0xdc: {  	[tilespmem:s15], [sflag:$0x1] =	stream.indirect.gather [hbm4b:s21+s7], $0x40, s25, s7, $0xb8;
	[tilespmem:$0x18800] =	vst v63  }
0xdd: {  	_ =	swait.ge [sflag:s6], $0x2000  }
0xde: {  	[sflag:s6] =	ssyncset.done $0x0  }
0xdf: {  	s1 =	rddreg [dreg:$0xe];
	[sflag:s6] =	ssyncadd.s32 $0xFFFFE000  }
0xe0: {  	[hbm4b:s1+s2] =	stream.linear.scatter [tilespmem:s22], [sflag:$0x2], $0x2000, $0x38;
	[tilespmem:$0x18800] =	vst v63  }
0xe1: {  	_ =	swait.ge [sflag:s5], $0x2000  }
0xe2: {  	[sflag:s5] =	ssyncset.done $0x0  }
0xe3: {  	[sflag:s5] =	ssyncadd.s32 $0xFFFFE000  }
0xe4: {  	[tilespmem:s11], [sflag:$0x1] =	stream.indirect.gather [hbm4b:s4+s7], $0x80, s24, s7, $0xb8;
	[tilespmem:$0x18800] =	vst v63  }
0xe5: {  	_ =	swait.ge [sflag:s6], $0x2000  }
0xe6: {  	[sflag:s6] =	ssyncset.done $0x0  }
0xe7: {  	s1 =	rddreg [dreg:$0xf];
	[sflag:s6] =	ssyncadd.s32 $0xFFFFE000  }
0xe8: {  	[hbm4b:s1+s2] =	stream.linear.scatter [tilespmem:s18], [sflag:$0x2], $0x2000, $0x38;
	[tilespmem:$0x18800] =	vst v63  }
0xe9: {  	_ =	swait.ge [sflag:s5], $0x2000  }
0xea: {  	[sflag:s5] =	ssyncset.done $0x0  }
0xeb: {  	[sflag:s5] =	ssyncadd.s32 $0xFFFFE000  }
0xec: {  	[tilespmem:s10], [sflag:$0x1] =	stream.indirect.gather [hbm4b:s4+s7], $0x80, s23, s7, $0xb8;
	[tilespmem:$0x18800] =	vst v63  }
0xed: {  	_ =	swait.ge [sflag:s6], $0x2000  }
0xee: {  	[sflag:s6] =	ssyncset.done $0x0  }
0xef: {  	s1 =	rddreg [dreg:$0x10];
	[sflag:s6] =	ssyncadd.s32 $0xFFFFE000  }
0xf0: {  	[hbm4b:s1+s2] =	stream.linear.scatter [tilespmem:s17], [sflag:$0x2], $0x2000, $0x38;
	[tilespmem:$0x18800] =	vst v63  }
0xf1: {  	_ =	swait.ge [sflag:s5], $0x2000  }
0xf2: {  	[sflag:s5] =	ssyncset.done $0x0  }
0xf3: {  	[sflag:s5] =	ssyncadd.s32 $0xFFFFE000  }
0xf4: {  	[tilespmem:s8], [sflag:$0x1] =	stream.indirect.gather [hbm4b:s4+s7], $0x80, s20, s7, $0xb8;
	[tilespmem:$0x18800] =	vst v63  }
0xf5: {  	_ =	swait.ge [sflag:s6], $0x2000  }
0xf6: {  	[sflag:s6] =	ssyncset.done $0x0  }
0xf7: {  	s1 =	rddreg [dreg:$0x11];
	[sflag:s6] =	ssyncadd.s32 $0xFFFFE000  }
0xf8: {  	[hbm4b:s1+s2] =	stream.linear.scatter [tilespmem:s15], [sflag:$0x2], $0x2000, $0x38;
	[tilespmem:$0x18800] =	vst v63  }
0xf9: {  	_ =	swait.ge [sflag:s5], $0x2000  }
0xfa: {  	[sflag:s5] =	ssyncset.done $0x0  }
0xfb: {  	[sflag:s5] =	ssyncadd.s32 $0xFFFFE000  }
0xfc: {  	[tilespmem:s9], [sflag:$0x1] =	stream.indirect.gather [hbm4b:s4+s7], $0x80, s19, s7, $0xb8;
	[tilespmem:$0x18800] =	vst v63  }
0xfd: {  	_ =	swait.ge [sflag:s6], $0x4000  }
0xfe: {  	[sflag:s6] =	ssyncset.done $0x0  }
0xff: {  	s1 =	rddreg [dreg:$0x12];
	[sflag:s6] =	ssyncadd.s32 $0xFFFFC000  }
0x100: {  	[hbm4b:s1+s2] =	stream.linear.scatter [tilespmem:s11], [sflag:$0x2], $0x4000, $0x38;
	[tilespmem:$0x18800] =	vst v63  }
0x101: {  	_ =	swait.ge [sflag:s5], $0x4000  }
0x102: {  	[sflag:s5] =	ssyncset.done $0x0  }
0x103: {  	[sflag:s5] =	ssyncadd.s32 $0xFFFFC000  }
0x104: {  	[tilespmem:s11], [sflag:$0x1] =	stream.indirect.gather [hbm4b:s3+s7], $0x80, s16, s7, $0xb8;
	[tilespmem:$0x18800] =	vst v63  }
0x105: {  	_ =	swait.ge [sflag:s6], $0x4000  }
0x106: {  	[sflag:s6] =	ssyncset.done $0x0  }
0x107: {  	s1 =	rddreg [dreg:$0x13];
	[sflag:s6] =	ssyncadd.s32 $0xFFFFC000  }
0x108: {  	[hbm4b:s1+s2] =	stream.linear.scatter [tilespmem:s10], [sflag:$0x2], $0x4000, $0x38;
	[tilespmem:$0x18800] =	vst v63  }
0x109: {  	_ =	swait.ge [sflag:s5], $0x4000  }
0x10a: {  	[sflag:s5] =	ssyncset.done $0x0  }
0x10b: {  	[sflag:s5] =	ssyncadd.s32 $0xFFFFC000  }
0x10c: {  	[tilespmem:s10], [sflag:$0x1] =	stream.indirect.gather [hbm4b:s3+s7], $0x80, s14, s7, $0xb8;
	[tilespmem:$0x18800] =	vst v63  }
0x10d: {  	_ =	swait.ge [sflag:s6], $0x4000  }
0x10e: {  	[sflag:s6] =	ssyncset.done $0x0  }
0x10f: {  	s1 =	rddreg [dreg:$0x14];
	[sflag:s6] =	ssyncadd.s32 $0xFFFFC000  }
0x110: {  	[hbm4b:s1+s2] =	stream.linear.scatter [tilespmem:s8], [sflag:$0x2], $0x4000, $0x38;
	[tilespmem:$0x18800] =	vst v63  }
0x111: {  	_ =	swait.ge [sflag:s5], $0x4000  }
0x112: {  	[sflag:s5] =	ssyncset.done $0x0  }
0x113: {  	[sflag:s5] =	ssyncadd.s32 $0xFFFFC000  }
0x114: {  	[tilespmem:s8], [sflag:$0x1] =	stream.indirect.gather [hbm4b:s3+s7], $0x80, s13, s7, $0xb8;
	[tilespmem:$0x18800] =	vst v63  }
0x115: {  	_ =	swait.ge [sflag:s6], $0x4000  }
0x116: {  	[sflag:s6] =	ssyncset.done $0x0  }
0x117: {  	s1 =	rddreg [dreg:$0x15];
	[sflag:s6] =	ssyncadd.s32 $0xFFFFC000  }
0x118: {  	[hbm4b:s1+s2] =	stream.linear.scatter [tilespmem:s9], [sflag:$0x2], $0x4000, $0x38;
	[tilespmem:$0x18800] =	vst v63  }
0x119: {  	_ =	swait.ge [sflag:s5], $0x4000  }
0x11a: {  	[sflag:s5] =	ssyncset.done $0x0  }
0x11b: {  	s12 =	simm.s32 $0x780;
	[sflag:s5] =	ssyncadd.s32 $0xFFFFC000  }
0x11c: {  	[tilespmem:s9], [sflag:$0x1] =	stream.indirect.gather [hbm4b:s3+s7], $0x80, s12, s7, $0xb8;
	[tilespmem:$0x18800] =	vst v63  }
0x11d: {  	_ =	swait.ge [sflag:s6], $0x4000  }
0x11e: {  	[sflag:s6] =	ssyncset.done $0x0  }
0x11f: {  	s1 =	rddreg [dreg:$0x16];
	[sflag:s6] =	ssyncadd.s32 $0xFFFFC000  }
0x120: {  	[hbm4b:s1+s2] =	stream.linear.scatter [tilespmem:s11], [sflag:$0x2], $0x4000, $0x38;
	[tilespmem:$0x18800] =	vst v63  }
0x121: {  	_ =	swait.ge [sflag:s6], $0x4000  }
0x122: {  	[sflag:s6] =	ssyncset.done $0x0  }
0x123: {  	s1 =	rddreg [dreg:$0x17];
	[sflag:s6] =	ssyncadd.s32 $0xFFFFC000  }
0x124: {  	[hbm4b:s1+s2] =	stream.linear.scatter [tilespmem:s10], [sflag:$0x2], $0x4000, $0x38;
	[tilespmem:$0x18800] =	vst v63  }
0x125: {  	_ =	swait.ge [sflag:s6], $0x4000  }
0x126: {  	[sflag:s6] =	ssyncset.done $0x0  }
0x127: {  	s1 =	rddreg [dreg:$0x18];
	[sflag:s6] =	ssyncadd.s32 $0xFFFFC000  }
0x128: {  	[hbm4b:s1+s2] =	stream.linear.scatter [tilespmem:s8], [sflag:$0x2], $0x4000, $0x38;
	[tilespmem:$0x18800] =	vst v63  }
0x129: {  	_ =	swait.ge [sflag:s6], $0x4000  }
0x12a: {  	[sflag:s6] =	ssyncset.done $0x0  }
0x12b: {  	s1 =	rddreg [dreg:$0x19];
	[sflag:s6] =	ssyncadd.s32 $0xFFFFC000  }
0x12c: {  	[hbm4b:s1+s2] =	stream.linear.scatter [tilespmem:s9], [sflag:$0x2], $0x4000, $0x38;
	[tilespmem:$0x18800] =	vst v63  }
0x12d: {  	_ =	swait.ge [sflag:s5], $0x4000  }
0x12e: {  	[sflag:s5] =	ssyncset.done $0x0  }
0x12f: {  	[sflag:s5] =	ssyncadd.s32 $0xFFFFC000  }
0x130: {  	_ =	swait.ge [sflag:s5], $0x4000  }
0x131: {  	[sflag:s5] =	ssyncset.done $0x0  }
0x132: {  	p1 =	sne.s32 s0, $0x1;
	[sflag:s5] =	ssyncadd.s32 $0xFFFFC000  }
.Ltmp2:
0x133: {  	_ =	swait.ge [sflag:s5], $0x4000;
	(pc) =	sbr.rel @p1 .LBB2_2-.Ltmp2, $4  }
0x134: {  	[sflag:s5] =	ssyncset.done $0x0  }
0x135: {  	[sflag:s5] =	ssyncadd.s32 $0xFFFFC000  }
0x136: {  	_ =	swait.ge [sflag:s5], $0x4000  }
0x137: {  	s0 =	sadd.s32 $0xFFFFFFFF, s0;
	s1 =	rddreg [dreg:$0x9];
	[sflag:s5] =	ssyncset.done $0x0  }
.LBB2_3:
0x138: {  	[sflag:s5] =	ssyncadd.s32 @p0 $0xFFFFC000  }
0x139: {  	[tilespmem:s2], [sflag:$0x3] =	stream.linear.gather [hbm4b:s1+s2], $0x800, $0x38;
	[tilespmem:$0x18800] =	vst v63  }
0x13a: {  	_ =	swait.ge [sflag:s31], $0x800  }
0x13b: {  	[sflag:s31] =	ssyncset.done $0x0  }
0x13c: {  	[sflag:s31] =	ssyncadd.s32 $0xFFFFF800  }
0x13d: {  	[tilespmem:s22], [sflag:$0x1] =	stream.indirect.gather [hbm4b:s26+s7], $0x40, s2, s7, $0xb8;
	[tilespmem:$0x18800] =	vst v63  }
0x13e: {  	_ = 	snop  }
0x13f: {  	[tilespmem:s18], [sflag:$0x1] =	stream.indirect.gather [hbm4b:s26+s7], $0x40, s7, s7, $0xb8;
	[tilespmem:$0x18800] =	vst v63  }
0x140: {  	s0 =	rddreg [dreg:$0x1a]  }
0x141: {  	[tilespmem:s17], [sflag:$0x1] =	stream.indirect.gather [hbm4b:s26+s7], $0x40, s0, s7, $0xb8;
	[tilespmem:$0x18800] =	vst v63  }
0x142: {  	s31 =	rddreg [dreg:$0x1b]  }
0x143: {  	[tilespmem:s15], [sflag:$0x1] =	stream.indirect.gather [hbm4b:s26+s7], $0x40, s31, s7, $0xb8;
	[tilespmem:$0x18800] =	vst v63  }
0x144: {  	_ =	swait.ge [sflag:s6], $0x2000  }
0x145: {  	[sflag:s6] =	ssyncset.done $0x0  }
0x146: {  	s1 =	rddreg [dreg:$0xa];
	[sflag:s6] =	ssyncadd.s32 $0xFFFFE000  }
0x147: {  	[hbm4b:s1+s2] =	stream.linear.scatter [tilespmem:s22], [sflag:$0x2], $0x2000, $0x38;
	[tilespmem:$0x18800] =	vst v63  }
0x148: {  	_ =	swait.ge [sflag:s5], $0x2000  }
0x149: {  	[sflag:s5] =	ssyncset.done $0x0  }
0x14a: {  	[sflag:s5] =	ssyncadd.s32 $0xFFFFE000  }
0x14b: {  	[tilespmem:s22], [sflag:$0x1] =	stream.indirect.gather [hbm4b:s21+s7], $0x40, s30, s7, $0xb8;
	[tilespmem:$0x18800] =	vst v63  }
0x14c: {  	_ =	swait.ge [sflag:s6], $0x2000  }
0x14d: {  	[sflag:s6] =	ssyncset.done $0x0  }
0x14e: {  	s26 =	rddreg [dreg:$0xb];
	[sflag:s6] =	ssyncadd.s32 $0xFFFFE000  }
0x14f: {  	[hbm4b:s26+s2] =	stream.linear.scatter [tilespmem:s18], [sflag:$0x2], $0x2000, $0x38;
	[tilespmem:$0x18800] =	vst v63  }
0x150: {  	_ =	swait.ge [sflag:s5], $0x2000  }
0x151: {  	[sflag:s5] =	ssyncset.done $0x0  }
0x152: {  	[sflag:s5] =	ssyncadd.s32 $0xFFFFE000  }
0x153: {  	[tilespmem:s18], [sflag:$0x1] =	stream.indirect.gather [hbm4b:s21+s7], $0x40, s29, s7, $0xb8;
	[tilespmem:$0x18800] =	vst v63  }
0x154: {  	_ =	swait.ge [sflag:s6], $0x2000  }
0x155: {  	[sflag:s6] =	ssyncset.done $0x0  }
0x156: {  	s29 =	rddreg [dreg:$0xc];
	[sflag:s6] =	ssyncadd.s32 $0xFFFFE000  }
0x157: {  	[hbm4b:s29+s2] =	stream.linear.scatter [tilespmem:s17], [sflag:$0x2], $0x2000, $0x38;
	[tilespmem:$0x18800] =	vst v63  }
0x158: {  	_ =	swait.ge [sflag:s5], $0x2000  }
0x159: {  	[sflag:s5] =	ssyncset.done $0x0  }
0x15a: {  	[sflag:s5] =	ssyncadd.s32 $0xFFFFE000  }
0x15b: {  	[tilespmem:s17], [sflag:$0x1] =	stream.indirect.gather [hbm4b:s21+s7], $0x40, s28, s7, $0xb8;
	[tilespmem:$0x18800] =	vst v63  }
0x15c: {  	_ =	swait.ge [sflag:s6], $0x2000  }
0x15d: {  	[sflag:s6] =	ssyncset.done $0x0  }
0x15e: {  	s30 =	rddreg [dreg:$0xd];
	[sflag:s6] =	ssyncadd.s32 $0xFFFFE000  }
0x15f: {  	[hbm4b:s30+s2] =	stream.linear.scatter [tilespmem:s15], [sflag:$0x2], $0x2000, $0x38;
	[tilespmem:$0x18800] =	vst v63  }
0x160: {  	_ =	swait.ge [sflag:s5], $0x2000  }
0x161: {  	[sflag:s5] =	ssyncset.done $0x0  }
0x162: {  	[sflag:s5] =	ssyncadd.s32 $0xFFFFE000  }
0x163: {  	[tilespmem:s15], [sflag:$0x1] =	stream.indirect.gather [hbm4b:s21+s7], $0x40, s25, s7, $0xb8;
	[tilespmem:$0x18800] =	vst v63  }
0x164: {  	_ =	swait.ge [sflag:s6], $0x2000  }
0x165: {  	[sflag:s6] =	ssyncset.done $0x0  }
0x166: {  	s31 =	rddreg [dreg:$0xe];
	[sflag:s6] =	ssyncadd.s32 $0xFFFFE000  }
0x167: {  	[hbm4b:s31+s2] =	stream.linear.scatter [tilespmem:s22], [sflag:$0x2], $0x2000, $0x38;
	[tilespmem:$0x18800] =	vst v63  }
0x168: {  	_ =	swait.ge [sflag:s5], $0x2000  }
0x169: {  	[sflag:s5] =	ssyncset.done $0x0  }
0x16a: {  	[sflag:s5] =	ssyncadd.s32 $0xFFFFE000  }
0x16b: {  	[tilespmem:s11], [sflag:$0x1] =	stream.indirect.gather [hbm4b:s4+s7], $0x80, s24, s7, $0xb8;
	[tilespmem:$0x18800] =	vst v63  }
0x16c: {  	_ =	swait.ge [sflag:s6], $0x2000  }
0x16d: {  	[sflag:s6] =	ssyncset.done $0x0  }
0x16e: {  	s1 =	rddreg [dreg:$0xf];
	[sflag:s6] =	ssyncadd.s32 $0xFFFFE000  }
0x16f: {  	[hbm4b:s1+s2] =	stream.linear.scatter [tilespmem:s18], [sflag:$0x2], $0x2000, $0x38;
	[tilespmem:$0x18800] =	vst v63  }
0x170: {  	_ =	swait.ge [sflag:s5], $0x2000  }
0x171: {  	[sflag:s5] =	ssyncset.done $0x0  }
0x172: {  	[sflag:s5] =	ssyncadd.s32 $0xFFFFE000  }
0x173: {  	[tilespmem:s10], [sflag:$0x1] =	stream.indirect.gather [hbm4b:s4+s7], $0x80, s23, s7, $0xb8;
	[tilespmem:$0x18800] =	vst v63  }
0x174: {  	_ =	swait.ge [sflag:s6], $0x2000  }
0x175: {  	[sflag:s6] =	ssyncset.done $0x0  }
0x176: {  	s18 =	rddreg [dreg:$0x10];
	[sflag:s6] =	ssyncadd.s32 $0xFFFFE000  }
0x177: {  	[hbm4b:s18+s2] =	stream.linear.scatter [tilespmem:s17], [sflag:$0x2], $0x2000, $0x38;
	[tilespmem:$0x18800] =	vst v63  }
0x178: {  	_ =	swait.ge [sflag:s5], $0x2000  }
0x179: {  	[sflag:s5] =	ssyncset.done $0x0  }
0x17a: {  	[sflag:s5] =	ssyncadd.s32 $0xFFFFE000  }
0x17b: {  	[tilespmem:s8], [sflag:$0x1] =	stream.indirect.gather [hbm4b:s4+s7], $0x80, s20, s7, $0xb8;
	[tilespmem:$0x18800] =	vst v63  }
0x17c: {  	_ =	swait.ge [sflag:s6], $0x2000  }
0x17d: {  	[sflag:s6] =	ssyncset.done $0x0  }
0x17e: {  	s21 =	rddreg [dreg:$0x11];
	[sflag:s6] =	ssyncadd.s32 $0xFFFFE000  }
0x17f: {  	[hbm4b:s21+s2] =	stream.linear.scatter [tilespmem:s15], [sflag:$0x2], $0x2000, $0x38;
	[tilespmem:$0x18800] =	vst v63  }
0x180: {  	_ =	swait.ge [sflag:s5], $0x2000  }
0x181: {  	[sflag:s5] =	ssyncset.done $0x0  }
0x182: {  	[sflag:s5] =	ssyncadd.s32 $0xFFFFE000  }
0x183: {  	[tilespmem:s9], [sflag:$0x1] =	stream.indirect.gather [hbm4b:s4+s7], $0x80, s19, s7, $0xb8;
	[tilespmem:$0x18800] =	vst v63  }
0x184: {  	_ =	swait.ge [sflag:s6], $0x4000  }
0x185: {  	[sflag:s6] =	ssyncset.done $0x0  }
0x186: {  	s22 =	rddreg [dreg:$0x12];
	[sflag:s6] =	ssyncadd.s32 $0xFFFFC000  }
0x187: {  	[hbm4b:s22+s2] =	stream.linear.scatter [tilespmem:s11], [sflag:$0x2], $0x4000, $0x38;
	[tilespmem:$0x18800] =	vst v63  }
0x188: {  	_ =	swait.ge [sflag:s5], $0x4000  }
0x189: {  	[sflag:s5] =	ssyncset.done $0x0  }
0x18a: {  	[sflag:s5] =	ssyncadd.s32 $0xFFFFC000  }
0x18b: {  	[tilespmem:s11], [sflag:$0x1] =	stream.indirect.gather [hbm4b:s3+s7], $0x80, s16, s7, $0xb8;
	[tilespmem:$0x18800] =	vst v63  }
0x18c: {  	_ =	swait.ge [sflag:s6], $0x4000  }
0x18d: {  	[sflag:s6] =	ssyncset.done $0x0  }
0x18e: {  	s23 =	rddreg [dreg:$0x13];
	[sflag:s6] =	ssyncadd.s32 $0xFFFFC000  }
0x18f: {  	[hbm4b:s23+s2] =	stream.linear.scatter [tilespmem:s10], [sflag:$0x2], $0x4000, $0x38;
	[tilespmem:$0x18800] =	vst v63  }
0x190: {  	_ =	swait.ge [sflag:s5], $0x4000  }
0x191: {  	[sflag:s5] =	ssyncset.done $0x0  }
0x192: {  	[sflag:s5] =	ssyncadd.s32 $0xFFFFC000  }
0x193: {  	[tilespmem:s10], [sflag:$0x1] =	stream.indirect.gather [hbm4b:s3+s7], $0x80, s14, s7, $0xb8;
	[tilespmem:$0x18800] =	vst v63  }
0x194: {  	_ =	swait.ge [sflag:s6], $0x4000  }
0x195: {  	[sflag:s6] =	ssyncset.done $0x0  }
0x196: {  	s24 =	rddreg [dreg:$0x14];
	[sflag:s6] =	ssyncadd.s32 $0xFFFFC000  }
0x197: {  	[hbm4b:s24+s2] =	stream.linear.scatter [tilespmem:s8], [sflag:$0x2], $0x4000, $0x38;
	[tilespmem:$0x18800] =	vst v63  }
0x198: {  	_ =	swait.ge [sflag:s5], $0x4000  }
0x199: {  	[sflag:s5] =	ssyncset.done $0x0  }
0x19a: {  	[sflag:s5] =	ssyncadd.s32 $0xFFFFC000  }
0x19b: {  	[tilespmem:s8], [sflag:$0x1] =	stream.indirect.gather [hbm4b:s3+s7], $0x80, s13, s7, $0xb8;
	[tilespmem:$0x18800] =	vst v63  }
0x19c: {  	_ =	swait.ge [sflag:s6], $0x4000  }
0x19d: {  	[sflag:s6] =	ssyncset.done $0x0  }
0x19e: {  	s25 =	rddreg [dreg:$0x15];
	[sflag:s6] =	ssyncadd.s32 $0xFFFFC000  }
0x19f: {  	[hbm4b:s25+s2] =	stream.linear.scatter [tilespmem:s9], [sflag:$0x2], $0x4000, $0x38;
	[tilespmem:$0x18800] =	vst v63  }
0x1a0: {  	_ =	swait.ge [sflag:s5], $0x4000  }
0x1a1: {  	[sflag:s5] =	ssyncset.done $0x0  }
0x1a2: {  	[sflag:s5] =	ssyncadd.s32 $0xFFFFC000  }
0x1a3: {  	[tilespmem:s9], [sflag:$0x1] =	stream.indirect.gather [hbm4b:s3+s7], $0x80, s12, s7, $0xb8;
	[tilespmem:$0x18800] =	vst v63  }
0x1a4: {  	_ =	swait.ge [sflag:s6], $0x4000  }
0x1a5: {  	[sflag:s6] =	ssyncset.done $0x0  }
0x1a6: {  	s26 =	rddreg [dreg:$0x16];
	[sflag:s6] =	ssyncadd.s32 $0xFFFFC000  }
0x1a7: {  	[hbm4b:s26+s2] =	stream.linear.scatter [tilespmem:s11], [sflag:$0x2], $0x4000, $0x38;
	[tilespmem:$0x18800] =	vst v63  }
0x1a8: {  	_ =	swait.ge [sflag:s6], $0x4000  }
0x1a9: {  	[sflag:s6] =	ssyncset.done $0x0  }
0x1aa: {  	s28 =	rddreg [dreg:$0x17];
	[sflag:s6] =	ssyncadd.s32 $0xFFFFC000  }
0x1ab: {  	[hbm4b:s28+s2] =	stream.linear.scatter [tilespmem:s10], [sflag:$0x2], $0x4000, $0x38;
	[tilespmem:$0x18800] =	vst v63  }
0x1ac: {  	_ =	swait.ge [sflag:s6], $0x4000  }
0x1ad: {  	[sflag:s6] =	ssyncset.done $0x0  }
0x1ae: {  	s29 =	rddreg [dreg:$0x18];
	[sflag:s6] =	ssyncadd.s32 $0xFFFFC000  }
0x1af: {  	[hbm4b:s29+s2] =	stream.linear.scatter [tilespmem:s8], [sflag:$0x2], $0x4000, $0x38;
	[tilespmem:$0x18800] =	vst v63  }
0x1b0: {  	_ =	swait.ge [sflag:s6], $0x4000  }
0x1b1: {  	[sflag:s6] =	ssyncset.done $0x0  }
0x1b2: {  	s30 =	rddreg [dreg:$0x19];
	[sflag:s6] =	ssyncadd.s32 $0xFFFFC000  }
0x1b3: {  	[hbm4b:s30+s2] =	stream.linear.scatter [tilespmem:s9], [sflag:$0x2], $0x4000, $0x38;
	[tilespmem:$0x18800] =	vst v63  }
0x1b4: {  	_ =	swait.ge [sflag:s5], $0x4000  }
0x1b5: {  	[sflag:s5] =	ssyncset.done $0x0  }
0x1b6: {  	[sflag:s5] =	ssyncadd.s32 $0xFFFFC000  }
0x1b7: {  	_ =	swait.ge [sflag:s5], $0x4000  }
0x1b8: {  	[sflag:s5] =	ssyncset.done $0x0  }
0x1b9: {  	[sflag:s5] =	ssyncadd.s32 $0xFFFFC000  }
0x1ba: {  	_ =	swait.ge [sflag:s5], $0x4000  }
0x1bb: {  	[sflag:s5] =	ssyncset.done $0x0  }
0x1bc: {  	[sflag:s5] =	ssyncadd.s32 $0xFFFFC000  }
0x1bd: {  	_ =	swait.ge [sflag:s5], $0x4000  }
0x1be: {  	[sflag:s5] =	ssyncset.done $0x0  }
0x1bf: {  	[sflag:s5] =	ssyncadd.s32 $0xFFFFC000  }
0x1c0: {  	_ =	sfence.sel $0x180000  }
0x1c1: {  	[bflag:$0x0] =	sbarrier.arrive $0xFFFF  }
0x1c2: {  	_ =	strace $0x90000047  }
0x1c3: {  	s31 =	stileid.u32;
	[bflag:$0x2] =	sbarrier.arrive $0xFFFF  }
0x1c4: {  	p0 =	sne.s32 s31, $0x0;
	s0 =	rddreg [dreg:$0x8]  }
0x1c5: {  	s0 =	sadd.s32 @!p0 $0x100000, s0  }
0x1c6: {  	[sflag:s0] =	ssyncadd.tile.s32 @!p0 $0x1;
	_ =	shalt  }
.Lfunc_end2:
_tile_overlayer_lowered:
.L_overlay_start_2:
0x1c7: {  	(tag) =	ssettag $0x2  }
0x1c8: {  	s0 =	rddreg [dreg:$0x0];
	s2 =	stileid.u32  }
0x1c9: {  	s1 =	rddreg [dreg:$0x1];
	p0 =	sne.s32 s2, $0x0  }
0x1ca: {  	s3 =	rddreg [dreg:$0x2];
	[bflag:$0x3] =	sbarrier.arrive $0xFFFF;
	s2 =	simm.s32 @!p0 $0x1C03  }
0x1cb: {  	[timem:s3], [sflag:s2] =	dma.local @!p0 [hbm:s0], s1  }
0x1cc: {  	s0 =	simm.s32 @!p0 $0x3  }
0x1cd: {  	_ =	swait.ge @!p0 [sflag:s0], s1  }
0x1ce: {  	s1 =	ssub.s32 @!p0 $0x0, s1;
	[sflag:s0] =	ssyncset.done @!p0 $0x0  }
0x1cf: {  	[sflag:s0] =	ssyncadd.s32 @!p0 s1  }
0x1d0: {  	[bflag:$0x3] =	sbarrier.arrive $0xFFFF  }
0x1d1: {  	_ =	shalt  }

</sc_bundles>
